<compile_context>
chip_gen: v7x
topology: tpu7x:2x2x1
jax: 0.10.2.dev20260603
libtpu: 0.0.44.dev20260713+nightly
codegen_flags: <defaults>
</compile_context>

<pallas_src>
import functools

import jax
import jax.numpy as jnp
from jax import lax
from jax.experimental import pallas as pl
from jax.experimental.pallas import tpu as pltpu
from jax.experimental.pallas import tpu_sc as plsc

N = 10000
E = 320000
D = 128
DH = D // 2

NC = 2
NS = 16
CHUNK = 128
SUP = 32
SB = 5
ROWS = SUP * SB
EPAD = NS * ROWS * CHUNK
NPAD = 10240
ROWS_T = NPAD // NS
ROWS_X = N // NS
NBUF = 2


def _sc_body(src_h, dst_h, xh_h, zs_h, zc_h, ones_h, psum_h, pcnt_h,
             src_sup, dst_sup, bufs, ones_v, x_s, acc_s, acc_c,
             gsems, ssems, csem):
    cid = lax.axis_index("c")
    sid = lax.axis_index("s")

    pltpu.sync_copy(xh_h.at[pl.ds(sid * ROWS_X, ROWS_X), pl.ds(cid * DH, DH)],
                    x_s.at[pl.ds(sid * ROWS_X, ROWS_X)])
    pltpu.sync_copy(zs_h, acc_s.at[pl.ds(sid * ROWS_T, ROWS_T)])
    pltpu.sync_copy(zc_h, acc_c.at[pl.ds(sid * ROWS_T, ROWS_T)])
    pltpu.sync_copy(ones_h, ones_v)
    plsc.subcore_barrier()

    def sb_body(sb, carry):
        pltpu.sync_copy(src_h.at[sid, pl.ds(sb * SUP, SUP)], src_sup)
        pltpu.sync_copy(dst_h.at[sid, pl.ds(sb * SUP, SUP)], dst_sup)

        for b in range(NBUF):
            pltpu.async_copy(x_s.at[src_sup.at[b]], bufs.at[b], gsems.at[b])

        def step(g, carry2):
            for b in range(NBUF):
                k = g + b
                pb = (b - 1) % NBUF
                pltpu.make_async_copy(x_s.at[src_sup.at[k]], bufs.at[b],
                                      gsems.at[b]).wait()
                pltpu.async_copy(bufs.at[b], acc_s.at[dst_sup.at[k]],
                                 ssems.at[b], add=True)
                if b % 2 == 0:
                    @pl.when(cid == 0)
                    def _():
                        pltpu.async_copy(ones_v, acc_c.at[dst_sup.at[k]],
                                         csem, add=True)
                else:
                    @pl.when(cid == 1)
                    def _():
                        pltpu.async_copy(ones_v, acc_c.at[dst_sup.at[k]],
                                         csem, add=True)

                @pl.when(k >= 1)
                def _():
                    pltpu.make_async_copy(bufs.at[pb], acc_s.at[dst_sup.at[0]],
                                          ssems.at[pb]).wait()

                @pl.when((k >= 1) & (k + 1 < SUP))
                def _():
                    pltpu.async_copy(x_s.at[src_sup.at[k + 1]], bufs.at[pb],
                                     gsems.at[pb])

            return carry2

        lax.fori_loop(0, SUP // NBUF, lambda i, c2: step(i * NBUF, c2), 0)

        pltpu.make_async_copy(bufs.at[(SUP - 1) % NBUF],
                              acc_s.at[dst_sup.at[0]],
                              ssems.at[(SUP - 1) % NBUF]).wait()

        def drain_counts(i, c2):
            pltpu.make_async_copy(ones_v, acc_c.at[dst_sup.at[0]],
                                  csem).wait()
            return c2

        lax.fori_loop(0, SUP // 2, drain_counts, 0)
        return carry

    lax.fori_loop(0, SB, sb_body, 0)
    plsc.subcore_barrier()

    pltpu.sync_copy(acc_s.at[pl.ds(sid * ROWS_T, ROWS_T)],
                    psum_h.at[pl.ds(sid * ROWS_T, ROWS_T),
                              pl.ds(cid * DH, DH)])
    pltpu.sync_copy(acc_c.at[pl.ds(sid * ROWS_T, ROWS_T)],
                    pcnt_h.at[pl.ds(sid * ROWS_T, ROWS_T),
                              pl.ds(cid * 16, 16)])


_sc_call = functools.partial(
    pl.kernel,
    out_type=[
        jax.ShapeDtypeStruct((NPAD, D), jnp.float32),
        jax.ShapeDtypeStruct((NPAD, 32), jnp.float32),
    ],
    mesh=plsc.VectorSubcoreMesh(core_axis_name="c", subcore_axis_name="s"),
    compiler_params=pltpu.CompilerParams(use_tc_tiling_on_sc=False),
    scratch_types=[
        pltpu.VMEM((SUP, CHUNK), jnp.int32),
        pltpu.VMEM((SUP, CHUNK), jnp.int32),
        pltpu.VMEM((NBUF, CHUNK, DH), jnp.float32),
        pltpu.VMEM((CHUNK, 16), jnp.float32),
        pltpu.VMEM_SHARED((N, DH), jnp.float32),
        pltpu.VMEM_SHARED((NPAD, DH), jnp.float32),
        pltpu.VMEM_SHARED((NPAD, 16), jnp.float32),
        pltpu.SemaphoreType.DMA((NBUF,)),
        pltpu.SemaphoreType.DMA((NBUF,)),
        pltpu.SemaphoreType.DMA,
    ],
)(_sc_body)


def _tc_body(psum_ref, pcnt_ref, x_ref, wlt_ref, bl_ref, wrt_ref, g_ref, b_ref,
             out_ref):
    s = psum_ref[0:N, :]
    c = pcnt_ref[0:N, 0:1] + pcnt_ref[0:N, 16:17]
    mean = s / jnp.maximum(c, 1.0)
    h = (jnp.dot(mean, wlt_ref[...], preferred_element_type=jnp.float32)
         + jnp.dot(x_ref[...], wrt_ref[...], preferred_element_type=jnp.float32)
         + bl_ref[...][None, :])
    h = jnp.maximum(h, 0.0)
    mu = jnp.mean(h, axis=0, keepdims=True)
    d = h - mu
    var = jnp.mean(d * d, axis=0, keepdims=True)
    out_ref[...] = (d * lax.rsqrt(var + 1e-5) * g_ref[...][None, :]
                    + b_ref[...][None, :])


_tc_call = pl.pallas_call(
    _tc_body,
    out_shape=jax.ShapeDtypeStruct((N, D), jnp.float32),
)


@jax.jit
def kernel(x, edge_index, W_l, b_l, W_r, gamma, beta):
    src = edge_index[0]
    dst = edge_index[1]
    pad = EPAD - E
    src3 = jnp.concatenate([src, jnp.zeros((pad,), jnp.int32)]).reshape(
        NS, ROWS, CHUNK)
    dst3 = jnp.concatenate([dst, jnp.full((pad,), N, jnp.int32)]).reshape(
        NS, ROWS, CHUNK)
    zs = jnp.zeros((ROWS_T, DH), jnp.float32)
    zc = jnp.zeros((ROWS_T, 16), jnp.float32)
    ones = jnp.ones((CHUNK, 16), jnp.float32)
    psum, pcnt = _sc_call(src3, dst3, x, zs, zc, ones)
    return _tc_call(psum, pcnt, x, W_l.T, b_l, W_r.T, gamma, beta)

# --- scband reference (transcript-rebuilt; emitter-appended) ---
"""Pipeline reference for scband-sageconv-layer-86380382257211 (READ-ONLY COPY).

The authoritative reference and input builder live on the scoring server;
editing this copy changes nothing except your own understanding.
"""

import jax, jax.numpy as jnp
import numpy as np

N = 10000
E = 320000
D = 128

def setup_inputs(seed: int = 0) -> dict:
    key = jax.random.key(seed)
    k1, k2, k3, k4, k5 = jax.random.split(key, 5)
    x = jax.random.normal(k1, (N, D), dtype=jnp.float32)
    edge_index = jax.random.randint(k2, (2, E), 0, N, dtype=jnp.int32)
    scale = 1.0 / np.sqrt(D)
    W_l = jax.random.normal(k3, (D, D), dtype=jnp.float32) * scale
    b_l = jnp.zeros((D,), dtype=jnp.float32)
    W_r = jax.random.normal(k4, (D, D), dtype=jnp.float32) * scale
    gamma = jnp.ones((D,), dtype=jnp.float32)
    beta = jnp.zeros((D,), dtype=jnp.float32)
    return {"x": x, "edge_index": edge_index, "W_l": W_l, "b_l": b_l, "W_r": W_r, "gamma": gamma, "beta": beta}


def reference(x, edge_index, W_l, b_l, W_r, gamma, beta):
    # HeteroConv with a single edge type ('node','to','node') -> plain SAGEConv (mean aggr)
    src = edge_index[0]
    dst = edge_index[1]
    msgs = jnp.take(x, src, axis=0)                      # gather: [E, D]
    summed = jax.ops.segment_sum(msgs, dst, num_segments=N)  # scatter-add: [N, D]
    cnt = jax.ops.segment_sum(jnp.ones((E,), dtype=x.dtype), dst, num_segments=N)
    mean_aggr = summed / jnp.clip(cnt, 1.0, None)[:, None]
    # SAGEConv: lin_l(aggregated) + lin_r(x); lin_l has bias, lin_r does not
    h = mean_aggr @ W_l.T + b_l + x @ W_r.T
    # dropout p=0.0 -> identity; then ReLU; then BatchNorm (training-mode batch stats)
    h = jax.nn.relu(h)
    mu = jnp.mean(h, axis=0)
    var = jnp.var(h, axis=0)
    out = (h - mu) / jnp.sqrt(var + 1e-5) * gamma + beta
    return out

if __name__ == "__main__":
    import jax
    _d = setup_inputs()
    print(jax.jit(kernel)(*tuple(_d.values())))

</pallas_src>

<mosaic_0001>
#map = affine_map<(d0, d1) -> (0, 0, 0)>
#map1 = affine_map<(d0, d1) -> (0, 0)>
module attributes {stable_mosaic.version = 14 : i64} {
  func.func @_sc_body(%arg0: i32, %arg1: i32, %arg2: memref<16x160x128xi32, #tpu.memory_space<hbm>>, %arg3: memref<16x160x128xi32, #tpu.memory_space<hbm>>, %arg4: memref<10000x128xf32, #tpu.memory_space<hbm>>, %arg5: memref<640x64xf32, #tpu.memory_space<hbm>>, %arg6: memref<640x16xf32, #tpu.memory_space<hbm>>, %arg7: memref<128x16xf32, #tpu.memory_space<hbm>>, %arg8: memref<10240x128xf32, #tpu.memory_space<hbm>>, %arg9: memref<10240x32xf32, #tpu.memory_space<hbm>>, %arg10: memref<32x128xi32, #tpu.memory_space<vmem>>, %arg11: memref<32x128xi32, #tpu.memory_space<vmem>>, %arg12: memref<2x128x64xf32, #tpu.memory_space<vmem>>, %arg13: memref<128x16xf32, #tpu.memory_space<vmem>>, %arg14: memref<10000x64xf32, #tpu.memory_space<vmem_shared>>, %arg15: memref<10240x64xf32, #tpu.memory_space<vmem_shared>>, %arg16: memref<10240x16xf32, #tpu.memory_space<vmem_shared>>, %arg17: memref<2x!tpu.dma_semaphore, #tpu.memory_space<semaphore_mem>>, %arg18: memref<2x!tpu.dma_semaphore, #tpu.memory_space<semaphore_mem>>, %arg19: memref<!tpu.dma_semaphore, #tpu.memory_space<semaphore_mem>>) attributes {dimension_semantics = [#tpu.dimension_semantics<core_parallel>, #tpu.dimension_semantics<subcore_parallel>], iteration_bounds = array<i64: 2, 16>, scalar_prefetch = 0 : i64, scratch_operands = 10 : i64, tpu.core_type = #tpu.core_type<sc_vector_subcore>, window_params = [{transform_indices = #map}, {transform_indices = #map}, {transform_indices = #map1}, {transform_indices = #map1}, {transform_indices = #map1}, {transform_indices = #map1}, {transform_indices = #map1}, {transform_indices = #map1}]} {
    %mul3A = arith.constant 625 : i32
    %mul3A_0 = arith.muli %arg1, %mul3A : i32
    %mul3A_1 = arith.constant 64 : i32
    %mul3A_2 = arith.muli %arg0, %mul3A_1 : i32
    %mul3A_3 = arith.constant 625 : i32
    %mul3A_4 = arith.muli %arg1, %mul3A_3 : i32
    "tpu.region"() ({
      %run_scoped3A = tpu.sem_alloc : memref<!tpu.dma_semaphore, #tpu.memory_space<semaphore_mem>>
      %dma_start3A = arith.constant 0 : i32
      %dma_start3A_27 = tpu.memref_slice %arg14[%mul3A_4, %dma_start3A] : memref<10000x64xf32, #tpu.memory_space<vmem_shared>> -> memref<625x64xf32, #tpu.memory_space<vmem_shared>>
      %dma_start3A_28 = tpu.memref_slice %arg4[%mul3A_0, %mul3A_2] : memref<10000x128xf32, #tpu.memory_space<hbm>> -> memref<625x64xf32, #tpu.memory_space<hbm>>
      tpu.enqueue_dma source(%dma_start3A_28 : memref<625x64xf32, #tpu.memory_space<hbm>>) target(%dma_start3A_27 : memref<625x64xf32, #tpu.memory_space<vmem_shared>>) target_semaphore(%run_scoped3A : memref<!tpu.dma_semaphore, #tpu.memory_space<semaphore_mem>>)
      %dma_wait3A = arith.constant 0 : i32
      %dma_wait3A_29 = tpu.memref_slice %arg14[%mul3A_4, %dma_wait3A] : memref<10000x64xf32, #tpu.memory_space<vmem_shared>> -> memref<625x64xf32, #tpu.memory_space<vmem_shared>>
      %dma_wait3A_30 = tpu.memref_slice %arg4[%mul3A_0, %mul3A_2] : memref<10000x128xf32, #tpu.memory_space<hbm>> -> memref<625x64xf32, #tpu.memory_space<hbm>>
      tpu.wait_dma2 semaphore(%run_scoped3A : memref<!tpu.dma_semaphore, #tpu.memory_space<semaphore_mem>>) src(%dma_wait3A_30 : memref<625x64xf32, #tpu.memory_space<hbm>>) dst(%dma_wait3A_29 : memref<625x64xf32, #tpu.memory_space<vmem_shared>>)
      tpu.yield
    }) : () -> ()
    %mul3A_5 = arith.constant 640 : i32
    %mul3A_6 = arith.muli %arg1, %mul3A_5 : i32
    "tpu.region"() ({
      %run_scoped3A = tpu.sem_alloc : memref<!tpu.dma_semaphore, #tpu.memory_space<semaphore_mem>>
      %dma_start3A = arith.constant 0 : i32
      %dma_start3A_27 = tpu.memref_slice %arg15[%mul3A_6, %dma_start3A] : memref<10240x64xf32, #tpu.memory_space<vmem_shared>> -> memref<640x64xf32, #tpu.memory_space<vmem_shared>>
      tpu.enqueue_dma source(%arg5 : memref<640x64xf32, #tpu.memory_space<hbm>>) target(%dma_start3A_27 : memref<640x64xf32, #tpu.memory_space<vmem_shared>>) target_semaphore(%run_scoped3A : memref<!tpu.dma_semaphore, #tpu.memory_space<semaphore_mem>>)
      %dma_wait3A = arith.constant 0 : i32
      %dma_wait3A_28 = tpu.memref_slice %arg15[%mul3A_6, %dma_wait3A] : memref<10240x64xf32, #tpu.memory_space<vmem_shared>> -> memref<640x64xf32, #tpu.memory_space<vmem_shared>>
      tpu.wait_dma2 semaphore(%run_scoped3A : memref<!tpu.dma_semaphore, #tpu.memory_space<semaphore_mem>>) src(%arg5 : memref<640x64xf32, #tpu.memory_space<hbm>>) dst(%dma_wait3A_28 : memref<640x64xf32, #tpu.memory_space<vmem_shared>>)
      tpu.yield
    }) : () -> ()
    %mul3A_7 = arith.constant 640 : i32
    %mul3A_8 = arith.muli %arg1, %mul3A_7 : i32
    "tpu.region"() ({
      %run_scoped3A = tpu.sem_alloc : memref<!tpu.dma_semaphore, #tpu.memory_space<semaphore_mem>>
      %dma_start3A = arith.constant 0 : i32
      %dma_start3A_27 = tpu.memref_slice %arg16[%mul3A_8, %dma_start3A] : memref<10240x16xf32, #tpu.memory_space<vmem_shared>> -> memref<640x16xf32, #tpu.memory_space<vmem_shared>>
      tpu.enqueue_dma source(%arg6 : memref<640x16xf32, #tpu.memory_space<hbm>>) target(%dma_start3A_27 : memref<640x16xf32, #tpu.memory_space<vmem_shared>>) target_semaphore(%run_scoped3A : memref<!tpu.dma_semaphore, #tpu.memory_space<semaphore_mem>>)
      %dma_wait3A = arith.constant 0 : i32
      %dma_wait3A_28 = tpu.memref_slice %arg16[%mul3A_8, %dma_wait3A] : memref<10240x16xf32, #tpu.memory_space<vmem_shared>> -> memref<640x16xf32, #tpu.memory_space<vmem_shared>>
      tpu.wait_dma2 semaphore(%run_scoped3A : memref<!tpu.dma_semaphore, #tpu.memory_space<semaphore_mem>>) src(%arg6 : memref<640x16xf32, #tpu.memory_space<hbm>>) dst(%dma_wait3A_28 : memref<640x16xf32, #tpu.memory_space<vmem_shared>>)
      tpu.yield
    }) : () -> ()
    "tpu.region"() ({
      %run_scoped3A = tpu.sem_alloc : memref<!tpu.dma_semaphore, #tpu.memory_space<semaphore_mem>>
      tpu.enqueue_dma source(%arg7 : memref<128x16xf32, #tpu.memory_space<hbm>>) target(%arg13 : memref<128x16xf32, #tpu.memory_space<vmem>>) target_semaphore(%run_scoped3A : memref<!tpu.dma_semaphore, #tpu.memory_space<semaphore_mem>>)
      tpu.wait_dma2 semaphore(%run_scoped3A : memref<!tpu.dma_semaphore, #tpu.memory_space<semaphore_mem>>) src(%arg7 : memref<128x16xf32, #tpu.memory_space<hbm>>) dst(%arg13 : memref<128x16xf32, #tpu.memory_space<vmem>>)
      tpu.yield
    }) : () -> ()
    %barrier3A = arith.constant 0 : index
    tpu.barrier barrier_id(%barrier3A)
    %scan3A = arith.constant 0 : i32
    %scan3A_9 = arith.constant 0 : i32
    %scan3A_10 = arith.constant 5 : i32
    %scan3A_11 = arith.addi %scan3A_9, %scan3A_10 : i32
    %scan3A_12 = arith.constant 1 : i32
    scf.for %scan3A_27 = %scan3A_9 to %scan3A_11 step %scan3A_12  : i32 {
      %mul3A_28 = arith.constant 32 : i32
      %mul3A_29 = arith.muli %scan3A_27, %mul3A_28 : i32
      "tpu.region"() ({
        %run_scoped3A = tpu.sem_alloc : memref<!tpu.dma_semaphore, #tpu.memory_space<semaphore_mem>>
        %dma_start3A_87 = arith.constant 0 : i32
        %dma_start3A_88 = tpu.memref_slice %arg2[%arg1, %mul3A_29, %dma_start3A_87] : memref<16x160x128xi32, #tpu.memory_space<hbm>> -> memref<1x32x128xi32, #tpu.memory_space<hbm>>
        %dma_start3A_89 = tpu.memref_squeeze %dma_start3A_88 : memref<1x32x128xi32, #tpu.memory_space<hbm>> -> memref<32x128xi32, #tpu.memory_space<hbm>>
        %dma_start3A_90 = arith.constant 0 : i32
        %dma_start3A_91 = tpu.memref_slice %arg2[%arg1, %mul3A_29, %dma_start3A_90] : memref<16x160x128xi32, #tpu.memory_space<hbm>> -> memref<1x32x128xi32, #tpu.memory_space<hbm>>
        %dma_start3A_92 = tpu.memref_squeeze %dma_start3A_91 : memref<1x32x128xi32, #tpu.memory_space<hbm>> -> memref<32x128xi32, #tpu.memory_space<hbm>>
        tpu.enqueue_dma source(%dma_start3A_92 : memref<32x128xi32, #tpu.memory_space<hbm>>) target(%arg10 : memref<32x128xi32, #tpu.memory_space<vmem>>) target_semaphore(%run_scoped3A : memref<!tpu.dma_semaphore, #tpu.memory_space<semaphore_mem>>)
        %dma_wait3A_93 = arith.constant 0 : i32
        %dma_wait3A_94 = tpu.memref_slice %arg2[%arg1, %mul3A_29, %dma_wait3A_93] : memref<16x160x128xi32, #tpu.memory_space<hbm>> -> memref<1x32x128xi32, #tpu.memory_space<hbm>>
        %dma_wait3A_95 = tpu.memref_squeeze %dma_wait3A_94 : memref<1x32x128xi32, #tpu.memory_space<hbm>> -> memref<32x128xi32, #tpu.memory_space<hbm>>
        %dma_wait3A_96 = arith.constant 0 : i32
        %dma_wait3A_97 = tpu.memref_slice %arg2[%arg1, %mul3A_29, %dma_wait3A_96] : memref<16x160x128xi32, #tpu.memory_space<hbm>> -> memref<1x32x128xi32, #tpu.memory_space<hbm>>
        %dma_wait3A_98 = tpu.memref_squeeze %dma_wait3A_97 : memref<1x32x128xi32, #tpu.memory_space<hbm>> -> memref<32x128xi32, #tpu.memory_space<hbm>>
        tpu.wait_dma2 semaphore(%run_scoped3A : memref<!tpu.dma_semaphore, #tpu.memory_space<semaphore_mem>>) src(%dma_wait3A_98 : memref<32x128xi32, #tpu.memory_space<hbm>>) dst(%arg10 : memref<32x128xi32, #tpu.memory_space<vmem>>)
        tpu.yield
      }) : () -> ()
      %mul3A_30 = arith.constant 32 : i32
      %mul3A_31 = arith.muli %scan3A_27, %mul3A_30 : i32
      "tpu.region"() ({
        %run_scoped3A = tpu.sem_alloc : memref<!tpu.dma_semaphore, #tpu.memory_space<semaphore_mem>>
        %dma_start3A_87 = arith.constant 0 : i32
        %dma_start3A_88 = tpu.memref_slice %arg3[%arg1, %mul3A_31, %dma_start3A_87] : memref<16x160x128xi32, #tpu.memory_space<hbm>> -> memref<1x32x128xi32, #tpu.memory_space<hbm>>
        %dma_start3A_89 = tpu.memref_squeeze %dma_start3A_88 : memref<1x32x128xi32, #tpu.memory_space<hbm>> -> memref<32x128xi32, #tpu.memory_space<hbm>>
        %dma_start3A_90 = arith.constant 0 : i32
        %dma_start3A_91 = tpu.memref_slice %arg3[%arg1, %mul3A_31, %dma_start3A_90] : memref<16x160x128xi32, #tpu.memory_space<hbm>> -> memref<1x32x128xi32, #tpu.memory_space<hbm>>
        %dma_start3A_92 = tpu.memref_squeeze %dma_start3A_91 : memref<1x32x128xi32, #tpu.memory_space<hbm>> -> memref<32x128xi32, #tpu.memory_space<hbm>>
        tpu.enqueue_dma source(%dma_start3A_92 : memref<32x128xi32, #tpu.memory_space<hbm>>) target(%arg11 : memref<32x128xi32, #tpu.memory_space<vmem>>) target_semaphore(%run_scoped3A : memref<!tpu.dma_semaphore, #tpu.memory_space<semaphore_mem>>)
        %dma_wait3A_93 = arith.constant 0 : i32
        %dma_wait3A_94 = tpu.memref_slice %arg3[%arg1, %mul3A_31, %dma_wait3A_93] : memref<16x160x128xi32, #tpu.memory_space<hbm>> -> memref<1x32x128xi32, #tpu.memory_space<hbm>>
        %dma_wait3A_95 = tpu.memref_squeeze %dma_wait3A_94 : memref<1x32x128xi32, #tpu.memory_space<hbm>> -> memref<32x128xi32, #tpu.memory_space<hbm>>
        %dma_wait3A_96 = arith.constant 0 : i32
        %dma_wait3A_97 = tpu.memref_slice %arg3[%arg1, %mul3A_31, %dma_wait3A_96] : memref<16x160x128xi32, #tpu.memory_space<hbm>> -> memref<1x32x128xi32, #tpu.memory_space<hbm>>
        %dma_wait3A_98 = tpu.memref_squeeze %dma_wait3A_97 : memref<1x32x128xi32, #tpu.memory_space<hbm>> -> memref<32x128xi32, #tpu.memory_space<hbm>>
        tpu.wait_dma2 semaphore(%run_scoped3A : memref<!tpu.dma_semaphore, #tpu.memory_space<semaphore_mem>>) src(%dma_wait3A_98 : memref<32x128xi32, #tpu.memory_space<hbm>>) dst(%arg11 : memref<32x128xi32, #tpu.memory_space<vmem>>)
        tpu.yield
      }) : () -> ()
      %dma_start3A = arith.constant 0 : i32
      %dma_start3A_32 = arith.constant 0 : i32
      %dma_start3A_33 = arith.constant 0 : i32
      %dma_start3A_34 = arith.constant 0 : i32
      %dma_start3A_35 = arith.constant 0 : i32
      %dma_start3A_36 = tpu.memref_slice %arg12[%dma_start3A_32, %dma_start3A_34, %dma_start3A_35] : memref<2x128x64xf32, #tpu.memory_space<vmem>> -> memref<1x128x64xf32, #tpu.memory_space<vmem>>
      %dma_start3A_37 = tpu.memref_squeeze %dma_start3A_36 : memref<1x128x64xf32, #tpu.memory_space<vmem>> -> memref<128x64xf32, #tpu.memory_space<vmem>>
      %dma_start3A_38 = arith.constant 0 : i32
      %dma_start3A_39 = tpu.memref_slice %arg10[%dma_start3A, %dma_start3A_38] : memref<32x128xi32, #tpu.memory_space<vmem>> -> memref<1x128xi32, #tpu.memory_space<vmem>>
      %dma_start3A_40 = tpu.memref_squeeze %dma_start3A_39 : memref<1x128xi32, #tpu.memory_space<vmem>> -> memref<128xi32, #tpu.memory_space<vmem>>
      %dma_start3A_41 = arith.constant 0 : i32
      %dma_start3A_42 = arith.constant 0 : i32
      %dma_start3A_43 = tpu.memref_slice %arg14[%dma_start3A_41, %dma_start3A_42] : memref<10000x64xf32, #tpu.memory_space<vmem_shared>> -> memref<10000x64xf32, #tpu.memory_space<vmem_shared>>
      %dma_start3A_44 = tpu.memref_slice %arg17[%dma_start3A_33] : memref<2x!tpu.dma_semaphore, #tpu.memory_space<semaphore_mem>> -> memref<1x!tpu.dma_semaphore, #tpu.memory_space<semaphore_mem>>
      %dma_start3A_45 = tpu.memref_squeeze %dma_start3A_44 : memref<1x!tpu.dma_semaphore, #tpu.memory_space<semaphore_mem>> -> memref<!tpu.dma_semaphore, #tpu.memory_space<semaphore_mem>>
      tpu.enqueue_indirect_dma source(%dma_start3A_43 : memref<10000x64xf32, #tpu.memory_space<vmem_shared>>) target(%dma_start3A_37 : memref<128x64xf32, #tpu.memory_space<vmem>>) offsets(%dma_start3A_40 : memref<128xi32, #tpu.memory_space<vmem>>) semaphore(%dma_start3A_45 : memref<!tpu.dma_semaphore, #tpu.memory_space<semaphore_mem>>)
      %dma_start3A_46 = arith.constant 1 : i32
      %dma_start3A_47 = arith.constant 1 : i32
      %dma_start3A_48 = arith.constant 1 : i32
      %dma_start3A_49 = arith.constant 0 : i32
      %dma_start3A_50 = arith.constant 0 : i32
      %dma_start3A_51 = tpu.memref_slice %arg12[%dma_start3A_47, %dma_start3A_49, %dma_start3A_50] : memref<2x128x64xf32, #tpu.memory_space<vmem>> -> memref<1x128x64xf32, #tpu.memory_space<vmem>>
      %dma_start3A_52 = tpu.memref_squeeze %dma_start3A_51 : memref<1x128x64xf32, #tpu.memory_space<vmem>> -> memref<128x64xf32, #tpu.memory_space<vmem>>
      %dma_start3A_53 = arith.constant 0 : i32
      %dma_start3A_54 = tpu.memref_slice %arg10[%dma_start3A_46, %dma_start3A_53] : memref<32x128xi32, #tpu.memory_space<vmem>> -> memref<1x128xi32, #tpu.memory_space<vmem>>
      %dma_start3A_55 = tpu.memref_squeeze %dma_start3A_54 : memref<1x128xi32, #tpu.memory_space<vmem>> -> memref<128xi32, #tpu.memory_space<vmem>>
      %dma_start3A_56 = arith.constant 0 : i32
      %dma_start3A_57 = arith.constant 0 : i32
      %dma_start3A_58 = tpu.memref_slice %arg14[%dma_start3A_56, %dma_start3A_57] : memref<10000x64xf32, #tpu.memory_space<vmem_shared>> -> memref<10000x64xf32, #tpu.memory_space<vmem_shared>>
      %dma_start3A_59 = tpu.memref_slice %arg17[%dma_start3A_48] : memref<2x!tpu.dma_semaphore, #tpu.memory_space<semaphore_mem>> -> memref<1x!tpu.dma_semaphore, #tpu.memory_space<semaphore_mem>>
      %dma_start3A_60 = tpu.memref_squeeze %dma_start3A_59 : memref<1x!tpu.dma_semaphore, #tpu.memory_space<semaphore_mem>> -> memref<!tpu.dma_semaphore, #tpu.memory_space<semaphore_mem>>
      tpu.enqueue_indirect_dma source(%dma_start3A_58 : memref<10000x64xf32, #tpu.memory_space<vmem_shared>>) target(%dma_start3A_52 : memref<128x64xf32, #tpu.memory_space<vmem>>) offsets(%dma_start3A_55 : memref<128xi32, #tpu.memory_space<vmem>>) semaphore(%dma_start3A_60 : memref<!tpu.dma_semaphore, #tpu.memory_space<semaphore_mem>>)
      %scan3A_61 = arith.constant 0 : i32
      %scan3A_62 = arith.constant 0 : i32
      %scan3A_63 = arith.constant 16 : i32
      %scan3A_64 = arith.addi %scan3A_62, %scan3A_63 : i32
      %scan3A_65 = arith.constant 1 : i32
      scf.for %scan3A_87 = %scan3A_62 to %scan3A_64 step %scan3A_65  : i32 {
        %mul3A_88 = arith.constant 2 : i32
        %mul3A_89 = arith.muli %scan3A_87, %mul3A_88 : i32
        %add3A = arith.constant 0 : i32
        %add3A_90 = arith.addi %mul3A_89, %add3A : i32
        %dma_wait3A_91 = arith.constant 0 : i32
        %dma_wait3A_92 = arith.constant 0 : i32
        %dma_wait3A_93 = arith.constant 0 : i32
        %dma_wait3A_94 = arith.constant 0 : i32
        %dma_wait3A_95 = tpu.memref_slice %arg12[%dma_wait3A_91, %dma_wait3A_93, %dma_wait3A_94] : memref<2x128x64xf32, #tpu.memory_space<vmem>> -> memref<1x128x64xf32, #tpu.memory_space<vmem>>
        %dma_wait3A_96 = tpu.memref_squeeze %dma_wait3A_95 : memref<1x128x64xf32, #tpu.memory_space<vmem>> -> memref<128x64xf32, #tpu.memory_space<vmem>>
        %dma_wait3A_97 = arith.constant 0 : i32
        %dma_wait3A_98 = tpu.memref_slice %arg10[%add3A_90, %dma_wait3A_97] : memref<32x128xi32, #tpu.memory_space<vmem>> -> memref<1x128xi32, #tpu.memory_space<vmem>>
        %dma_wait3A_99 = tpu.memref_squeeze %dma_wait3A_98 : memref<1x128xi32, #tpu.memory_space<vmem>> -> memref<128xi32, #tpu.memory_space<vmem>>
        %dma_wait3A_100 = arith.constant 0 : i32
        %dma_wait3A_101 = arith.constant 0 : i32
        %dma_wait3A_102 = tpu.memref_slice %arg14[%dma_wait3A_100, %dma_wait3A_101] : memref<10000x64xf32, #tpu.memory_space<vmem_shared>> -> memref<10000x64xf32, #tpu.memory_space<vmem_shared>>
        %dma_wait3A_103 = tpu.memref_slice %arg17[%dma_wait3A_92] : memref<2x!tpu.dma_semaphore, #tpu.memory_space<semaphore_mem>> -> memref<1x!tpu.dma_semaphore, #tpu.memory_space<semaphore_mem>>
        %dma_wait3A_104 = tpu.memref_squeeze %dma_wait3A_103 : memref<1x!tpu.dma_semaphore, #tpu.memory_space<semaphore_mem>> -> memref<!tpu.dma_semaphore, #tpu.memory_space<semaphore_mem>>
        tpu.wait_indirect_dma semaphore(%dma_wait3A_104 : memref<!tpu.dma_semaphore, #tpu.memory_space<semaphore_mem>>) src(%dma_wait3A_102 : memref<10000x64xf32, #tpu.memory_space<vmem_shared>>) dst(%dma_wait3A_96 : memref<128x64xf32, #tpu.memory_space<vmem>>)
        %dma_start3A_105 = arith.constant 0 : i32
        %dma_start3A_106 = arith.constant 0 : i32
        %dma_start3A_107 = arith.constant 0 : i32
        %dma_start3A_108 = arith.constant 0 : i32
        %dma_start3A_109 = tpu.memref_slice %arg12[%dma_start3A_105, %dma_start3A_107, %dma_start3A_108] : memref<2x128x64xf32, #tpu.memory_space<vmem>> -> memref<1x128x64xf32, #tpu.memory_space<vmem>>
        %dma_start3A_110 = tpu.memref_squeeze %dma_start3A_109 : memref<1x128x64xf32, #tpu.memory_space<vmem>> -> memref<128x64xf32, #tpu.memory_space<vmem>>
        %dma_start3A_111 = arith.constant 0 : i32
        %dma_start3A_112 = tpu.memref_slice %arg11[%add3A_90, %dma_start3A_111] : memref<32x128xi32, #tpu.memory_space<vmem>> -> memref<1x128xi32, #tpu.memory_space<vmem>>
        %dma_start3A_113 = tpu.memref_squeeze %dma_start3A_112 : memref<1x128xi32, #tpu.memory_space<vmem>> -> memref<128xi32, #tpu.memory_space<vmem>>
        %dma_start3A_114 = arith.constant 0 : i32
        %dma_start3A_115 = arith.constant 0 : i32
        %dma_start3A_116 = tpu.memref_slice %arg15[%dma_start3A_114, %dma_start3A_115] : memref<10240x64xf32, #tpu.memory_space<vmem_shared>> -> memref<10240x64xf32, #tpu.memory_space<vmem_shared>>
        %dma_start3A_117 = tpu.memref_slice %arg18[%dma_start3A_106] : memref<2x!tpu.dma_semaphore, #tpu.memory_space<semaphore_mem>> -> memref<1x!tpu.dma_semaphore, #tpu.memory_space<semaphore_mem>>
        %dma_start3A_118 = tpu.memref_squeeze %dma_start3A_117 : memref<1x!tpu.dma_semaphore, #tpu.memory_space<semaphore_mem>> -> memref<!tpu.dma_semaphore, #tpu.memory_space<semaphore_mem>>
        tpu.enqueue_indirect_dma source(%dma_start3A_110 : memref<128x64xf32, #tpu.memory_space<vmem>>) target(%dma_start3A_116 : memref<10240x64xf32, #tpu.memory_space<vmem_shared>>) offsets(%dma_start3A_113 : memref<128xi32, #tpu.memory_space<vmem>>) semaphore(%dma_start3A_118 : memref<!tpu.dma_semaphore, #tpu.memory_space<semaphore_mem>>) {add = true}
        %eq3A = arith.constant 0 : i32
        %eq3A_119 = arith.cmpi eq, %arg0, %eq3A : i32
        %convert_element_type3A = arith.extui %eq3A_119 : i1 to i32
        %cond3A = arith.constant 0 : i32
        %cond3A_120 = arith.cmpi ne, %convert_element_type3A, %cond3A : i32
        scf.if %cond3A_120 {
          %dma_start3A_183 = arith.constant 0 : i32
          %dma_start3A_184 = tpu.memref_slice %arg11[%add3A_90, %dma_start3A_183] : memref<32x128xi32, #tpu.memory_space<vmem>> -> memref<1x128xi32, #tpu.memory_space<vmem>>
          %dma_start3A_185 = tpu.memref_squeeze %dma_start3A_184 : memref<1x128xi32, #tpu.memory_space<vmem>> -> memref<128xi32, #tpu.memory_space<vmem>>
          %dma_start3A_186 = arith.constant 0 : i32
          %dma_start3A_187 = arith.constant 0 : i32
          %dma_start3A_188 = tpu.memref_slice %arg16[%dma_start3A_186, %dma_start3A_187] : memref<10240x16xf32, #tpu.memory_space<vmem_shared>> -> memref<10240x16xf32, #tpu.memory_space<vmem_shared>>
          tpu.enqueue_indirect_dma source(%arg13 : memref<128x16xf32, #tpu.memory_space<vmem>>) target(%dma_start3A_188 : memref<10240x16xf32, #tpu.memory_space<vmem_shared>>) offsets(%dma_start3A_185 : memref<128xi32, #tpu.memory_space<vmem>>) semaphore(%arg19 : memref<!tpu.dma_semaphore, #tpu.memory_space<semaphore_mem>>) {add = true}
        } else {
        }
        %ge3A = arith.constant 1 : i32
        %ge3A_121 = arith.cmpi sge, %add3A_90, %ge3A : i32
        %convert_element_type3A_122 = arith.extui %ge3A_121 : i1 to i32
        %cond3A_123 = arith.constant 0 : i32
        %cond3A_124 = arith.cmpi ne, %convert_element_type3A_122, %cond3A_123 : i32
        scf.if %cond3A_124 {
          %dma_wait3A_183 = arith.constant 1 : i32
          %dma_wait3A_184 = arith.constant 0 : i32
          %dma_wait3A_185 = arith.constant 1 : i32
          %dma_wait3A_186 = arith.constant 0 : i32
          %dma_wait3A_187 = arith.constant 0 : i32
          %dma_wait3A_188 = tpu.memref_slice %arg12[%dma_wait3A_183, %dma_wait3A_186, %dma_wait3A_187] : memref<2x128x64xf32, #tpu.memory_space<vmem>> -> memref<1x128x64xf32, #tpu.memory_space<vmem>>
          %dma_wait3A_189 = tpu.memref_squeeze %dma_wait3A_188 : memref<1x128x64xf32, #tpu.memory_space<vmem>> -> memref<128x64xf32, #tpu.memory_space<vmem>>
          %dma_wait3A_190 = arith.constant 0 : i32
          %dma_wait3A_191 = tpu.memref_slice %arg11[%dma_wait3A_184, %dma_wait3A_190] : memref<32x128xi32, #tpu.memory_space<vmem>> -> memref<1x128xi32, #tpu.memory_space<vmem>>
          %dma_wait3A_192 = tpu.memref_squeeze %dma_wait3A_191 : memref<1x128xi32, #tpu.memory_space<vmem>> -> memref<128xi32, #tpu.memory_space<vmem>>
          %dma_wait3A_193 = arith.constant 0 : i32
          %dma_wait3A_194 = arith.constant 0 : i32
          %dma_wait3A_195 = tpu.memref_slice %arg15[%dma_wait3A_193, %dma_wait3A_194] : memref<10240x64xf32, #tpu.memory_space<vmem_shared>> -> memref<10240x64xf32, #tpu.memory_space<vmem_shared>>
          %dma_wait3A_196 = tpu.memref_slice %arg18[%dma_wait3A_185] : memref<2x!tpu.dma_semaphore, #tpu.memory_space<semaphore_mem>> -> memref<1x!tpu.dma_semaphore, #tpu.memory_space<semaphore_mem>>
          %dma_wait3A_197 = tpu.memref_squeeze %dma_wait3A_196 : memref<1x!tpu.dma_semaphore, #tpu.memory_space<semaphore_mem>> -> memref<!tpu.dma_semaphore, #tpu.memory_space<semaphore_mem>>
          tpu.wait_indirect_dma semaphore(%dma_wait3A_197 : memref<!tpu.dma_semaphore, #tpu.memory_space<semaphore_mem>>) src(%dma_wait3A_189 : memref<128x64xf32, #tpu.memory_space<vmem>>) dst(%dma_wait3A_195 : memref<10240x64xf32, #tpu.memory_space<vmem_shared>>)
        } else {
        }
        %ge3A_125 = arith.constant 1 : i32
        %ge3A_126 = arith.cmpi sge, %add3A_90, %ge3A_125 : i32
        %add3A_127 = arith.constant 1 : i32
        %add3A_128 = arith.addi %add3A_90, %add3A_127 : i32
        %lt3A = arith.constant 32 : i32
        %lt3A_129 = arith.cmpi slt, %add3A_128, %lt3A : i32
        %and3A = arith.andi %ge3A_126, %lt3A_129 : i1
        %convert_element_type3A_130 = arith.extui %and3A : i1 to i32
        %cond3A_131 = arith.constant 0 : i32
        %cond3A_132 = arith.cmpi ne, %convert_element_type3A_130, %cond3A_131 : i32
        scf.if %cond3A_132 {
          %add3A_183 = arith.constant 1 : i32
          %add3A_184 = arith.addi %add3A_90, %add3A_183 : i32
          %dma_start3A_185 = arith.constant 1 : i32
          %dma_start3A_186 = arith.constant 1 : i32
          %dma_start3A_187 = arith.constant 0 : i32
          %dma_start3A_188 = arith.constant 0 : i32
          %dma_start3A_189 = tpu.memref_slice %arg12[%dma_start3A_185, %dma_start3A_187, %dma_start3A_188] : memref<2x128x64xf32, #tpu.memory_space<vmem>> -> memref<1x128x64xf32, #tpu.memory_space<vmem>>
          %dma_start3A_190 = tpu.memref_squeeze %dma_start3A_189 : memref<1x128x64xf32, #tpu.memory_space<vmem>> -> memref<128x64xf32, #tpu.memory_space<vmem>>
          %dma_start3A_191 = arith.constant 0 : i32
          %dma_start3A_192 = tpu.memref_slice %arg10[%add3A_184, %dma_start3A_191] : memref<32x128xi32, #tpu.memory_space<vmem>> -> memref<1x128xi32, #tpu.memory_space<vmem>>
          %dma_start3A_193 = tpu.memref_squeeze %dma_start3A_192 : memref<1x128xi32, #tpu.memory_space<vmem>> -> memref<128xi32, #tpu.memory_space<vmem>>
          %dma_start3A_194 = arith.constant 0 : i32
          %dma_start3A_195 = arith.constant 0 : i32
          %dma_start3A_196 = tpu.memref_slice %arg14[%dma_start3A_194, %dma_start3A_195] : memref<10000x64xf32, #tpu.memory_space<vmem_shared>> -> memref<10000x64xf32, #tpu.memory_space<vmem_shared>>
          %dma_start3A_197 = tpu.memref_slice %arg17[%dma_start3A_186] : memref<2x!tpu.dma_semaphore, #tpu.memory_space<semaphore_mem>> -> memref<1x!tpu.dma_semaphore, #tpu.memory_space<semaphore_mem>>
          %dma_start3A_198 = tpu.memref_squeeze %dma_start3A_197 : memref<1x!tpu.dma_semaphore, #tpu.memory_space<semaphore_mem>> -> memref<!tpu.dma_semaphore, #tpu.memory_space<semaphore_mem>>
          tpu.enqueue_indirect_dma source(%dma_start3A_196 : memref<10000x64xf32, #tpu.memory_space<vmem_shared>>) target(%dma_start3A_190 : memref<128x64xf32, #tpu.memory_space<vmem>>) offsets(%dma_start3A_193 : memref<128xi32, #tpu.memory_space<vmem>>) semaphore(%dma_start3A_198 : memref<!tpu.dma_semaphore, #tpu.memory_space<semaphore_mem>>)
        } else {
        }
        %add3A_133 = arith.constant 1 : i32
        %add3A_134 = arith.addi %mul3A_89, %add3A_133 : i32
        %dma_wait3A_135 = arith.constant 1 : i32
        %dma_wait3A_136 = arith.constant 1 : i32
        %dma_wait3A_137 = arith.constant 0 : i32
        %dma_wait3A_138 = arith.constant 0 : i32
        %dma_wait3A_139 = tpu.memref_slice %arg12[%dma_wait3A_135, %dma_wait3A_137, %dma_wait3A_138] : memref<2x128x64xf32, #tpu.memory_space<vmem>> -> memref<1x128x64xf32, #tpu.memory_space<vmem>>
        %dma_wait3A_140 = tpu.memref_squeeze %dma_wait3A_139 : memref<1x128x64xf32, #tpu.memory_space<vmem>> -> memref<128x64xf32, #tpu.memory_space<vmem>>
        %dma_wait3A_141 = arith.constant 0 : i32
        %dma_wait3A_142 = tpu.memref_slice %arg10[%add3A_134, %dma_wait3A_141] : memref<32x128xi32, #tpu.memory_space<vmem>> -> memref<1x128xi32, #tpu.memory_space<vmem>>
        %dma_wait3A_143 = tpu.memref_squeeze %dma_wait3A_142 : memref<1x128xi32, #tpu.memory_space<vmem>> -> memref<128xi32, #tpu.memory_space<vmem>>
        %dma_wait3A_144 = arith.constant 0 : i32
        %dma_wait3A_145 = arith.constant 0 : i32
        %dma_wait3A_146 = tpu.memref_slice %arg14[%dma_wait3A_144, %dma_wait3A_145] : memref<10000x64xf32, #tpu.memory_space<vmem_shared>> -> memref<10000x64xf32, #tpu.memory_space<vmem_shared>>
        %dma_wait3A_147 = tpu.memref_slice %arg17[%dma_wait3A_136] : memref<2x!tpu.dma_semaphore, #tpu.memory_space<semaphore_mem>> -> memref<1x!tpu.dma_semaphore, #tpu.memory_space<semaphore_mem>>
        %dma_wait3A_148 = tpu.memref_squeeze %dma_wait3A_147 : memref<1x!tpu.dma_semaphore, #tpu.memory_space<semaphore_mem>> -> memref<!tpu.dma_semaphore, #tpu.memory_space<semaphore_mem>>
        tpu.wait_indirect_dma semaphore(%dma_wait3A_148 : memref<!tpu.dma_semaphore, #tpu.memory_space<semaphore_mem>>) src(%dma_wait3A_146 : memref<10000x64xf32, #tpu.memory_space<vmem_shared>>) dst(%dma_wait3A_140 : memref<128x64xf32, #tpu.memory_space<vmem>>)
        %dma_start3A_149 = arith.constant 1 : i32
        %dma_start3A_150 = arith.constant 1 : i32
        %dma_start3A_151 = arith.constant 0 : i32
        %dma_start3A_152 = arith.constant 0 : i32
        %dma_start3A_153 = tpu.memref_slice %arg12[%dma_start3A_149, %dma_start3A_151, %dma_start3A_152] : memref<2x128x64xf32, #tpu.memory_space<vmem>> -> memref<1x128x64xf32, #tpu.memory_space<vmem>>
        %dma_start3A_154 = tpu.memref_squeeze %dma_start3A_153 : memref<1x128x64xf32, #tpu.memory_space<vmem>> -> memref<128x64xf32, #tpu.memory_space<vmem>>
        %dma_start3A_155 = arith.constant 0 : i32
        %dma_start3A_156 = tpu.memref_slice %arg11[%add3A_134, %dma_start3A_155] : memref<32x128xi32, #tpu.memory_space<vmem>> -> memref<1x128xi32, #tpu.memory_space<vmem>>
        %dma_start3A_157 = tpu.memref_squeeze %dma_start3A_156 : memref<1x128xi32, #tpu.memory_space<vmem>> -> memref<128xi32, #tpu.memory_space<vmem>>
        %dma_start3A_158 = arith.constant 0 : i32
        %dma_start3A_159 = arith.constant 0 : i32
        %dma_start3A_160 = tpu.memref_slice %arg15[%dma_start3A_158, %dma_start3A_159] : memref<10240x64xf32, #tpu.memory_space<vmem_shared>> -> memref<10240x64xf32, #tpu.memory_space<vmem_shared>>
        %dma_start3A_161 = tpu.memref_slice %arg18[%dma_start3A_150] : memref<2x!tpu.dma_semaphore, #tpu.memory_space<semaphore_mem>> -> memref<1x!tpu.dma_semaphore, #tpu.memory_space<semaphore_mem>>
        %dma_start3A_162 = tpu.memref_squeeze %dma_start3A_161 : memref<1x!tpu.dma_semaphore, #tpu.memory_space<semaphore_mem>> -> memref<!tpu.dma_semaphore, #tpu.memory_space<semaphore_mem>>
        tpu.enqueue_indirect_dma source(%dma_start3A_154 : memref<128x64xf32, #tpu.memory_space<vmem>>) target(%dma_start3A_160 : memref<10240x64xf32, #tpu.memory_space<vmem_shared>>) offsets(%dma_start3A_157 : memref<128xi32, #tpu.memory_space<vmem>>) semaphore(%dma_start3A_162 : memref<!tpu.dma_semaphore, #tpu.memory_space<semaphore_mem>>) {add = true}
        %eq3A_163 = arith.constant 1 : i32
        %eq3A_164 = arith.cmpi eq, %arg0, %eq3A_163 : i32
        %convert_element_type3A_165 = arith.extui %eq3A_164 : i1 to i32
        %cond3A_166 = arith.constant 0 : i32
        %cond3A_167 = arith.cmpi ne, %convert_element_type3A_165, %cond3A_166 : i32
        scf.if %cond3A_167 {
          %dma_start3A_183 = arith.constant 0 : i32
          %dma_start3A_184 = tpu.memref_slice %arg11[%add3A_134, %dma_start3A_183] : memref<32x128xi32, #tpu.memory_space<vmem>> -> memref<1x128xi32, #tpu.memory_space<vmem>>
          %dma_start3A_185 = tpu.memref_squeeze %dma_start3A_184 : memref<1x128xi32, #tpu.memory_space<vmem>> -> memref<128xi32, #tpu.memory_space<vmem>>
          %dma_start3A_186 = arith.constant 0 : i32
          %dma_start3A_187 = arith.constant 0 : i32
          %dma_start3A_188 = tpu.memref_slice %arg16[%dma_start3A_186, %dma_start3A_187] : memref<10240x16xf32, #tpu.memory_space<vmem_shared>> -> memref<10240x16xf32, #tpu.memory_space<vmem_shared>>
          tpu.enqueue_indirect_dma source(%arg13 : memref<128x16xf32, #tpu.memory_space<vmem>>) target(%dma_start3A_188 : memref<10240x16xf32, #tpu.memory_space<vmem_shared>>) offsets(%dma_start3A_185 : memref<128xi32, #tpu.memory_space<vmem>>) semaphore(%arg19 : memref<!tpu.dma_semaphore, #tpu.memory_space<semaphore_mem>>) {add = true}
        } else {
        }
        %ge3A_168 = arith.constant 1 : i32
        %ge3A_169 = arith.cmpi sge, %add3A_134, %ge3A_168 : i32
        %convert_element_type3A_170 = arith.extui %ge3A_169 : i1 to i32
        %cond3A_171 = arith.constant 0 : i32
        %cond3A_172 = arith.cmpi ne, %convert_element_type3A_170, %cond3A_171 : i32
        scf.if %cond3A_172 {
          %dma_wait3A_183 = arith.constant 0 : i32
          %dma_wait3A_184 = arith.constant 0 : i32
          %dma_wait3A_185 = arith.constant 0 : i32
          %dma_wait3A_186 = arith.constant 0 : i32
          %dma_wait3A_187 = arith.constant 0 : i32
          %dma_wait3A_188 = tpu.memref_slice %arg12[%dma_wait3A_183, %dma_wait3A_186, %dma_wait3A_187] : memref<2x128x64xf32, #tpu.memory_space<vmem>> -> memref<1x128x64xf32, #tpu.memory_space<vmem>>
          %dma_wait3A_189 = tpu.memref_squeeze %dma_wait3A_188 : memref<1x128x64xf32, #tpu.memory_space<vmem>> -> memref<128x64xf32, #tpu.memory_space<vmem>>
          %dma_wait3A_190 = arith.constant 0 : i32
          %dma_wait3A_191 = tpu.memref_slice %arg11[%dma_wait3A_184, %dma_wait3A_190] : memref<32x128xi32, #tpu.memory_space<vmem>> -> memref<1x128xi32, #tpu.memory_space<vmem>>
          %dma_wait3A_192 = tpu.memref_squeeze %dma_wait3A_191 : memref<1x128xi32, #tpu.memory_space<vmem>> -> memref<128xi32, #tpu.memory_space<vmem>>
          %dma_wait3A_193 = arith.constant 0 : i32
          %dma_wait3A_194 = arith.constant 0 : i32
          %dma_wait3A_195 = tpu.memref_slice %arg15[%dma_wait3A_193, %dma_wait3A_194] : memref<10240x64xf32, #tpu.memory_space<vmem_shared>> -> memref<10240x64xf32, #tpu.memory_space<vmem_shared>>
          %dma_wait3A_196 = tpu.memref_slice %arg18[%dma_wait3A_185] : memref<2x!tpu.dma_semaphore, #tpu.memory_space<semaphore_mem>> -> memref<1x!tpu.dma_semaphore, #tpu.memory_space<semaphore_mem>>
          %dma_wait3A_197 = tpu.memref_squeeze %dma_wait3A_196 : memref<1x!tpu.dma_semaphore, #tpu.memory_space<semaphore_mem>> -> memref<!tpu.dma_semaphore, #tpu.memory_space<semaphore_mem>>
          tpu.wait_indirect_dma semaphore(%dma_wait3A_197 : memref<!tpu.dma_semaphore, #tpu.memory_space<semaphore_mem>>) src(%dma_wait3A_189 : memref<128x64xf32, #tpu.memory_space<vmem>>) dst(%dma_wait3A_195 : memref<10240x64xf32, #tpu.memory_space<vmem_shared>>)
        } else {
        }
        %ge3A_173 = arith.constant 1 : i32
        %ge3A_174 = arith.cmpi sge, %add3A_134, %ge3A_173 : i32
        %add3A_175 = arith.constant 1 : i32
        %add3A_176 = arith.addi %add3A_134, %add3A_175 : i32
        %lt3A_177 = arith.constant 32 : i32
        %lt3A_178 = arith.cmpi slt, %add3A_176, %lt3A_177 : i32
        %and3A_179 = arith.andi %ge3A_174, %lt3A_178 : i1
        %convert_element_type3A_180 = arith.extui %and3A_179 : i1 to i32
        %cond3A_181 = arith.constant 0 : i32
        %cond3A_182 = arith.cmpi ne, %convert_element_type3A_180, %cond3A_181 : i32
        scf.if %cond3A_182 {
          %add3A_183 = arith.constant 1 : i32
          %add3A_184 = arith.addi %add3A_134, %add3A_183 : i32
          %dma_start3A_185 = arith.constant 0 : i32
          %dma_start3A_186 = arith.constant 0 : i32
          %dma_start3A_187 = arith.constant 0 : i32
          %dma_start3A_188 = arith.constant 0 : i32
          %dma_start3A_189 = tpu.memref_slice %arg12[%dma_start3A_185, %dma_start3A_187, %dma_start3A_188] : memref<2x128x64xf32, #tpu.memory_space<vmem>> -> memref<1x128x64xf32, #tpu.memory_space<vmem>>
          %dma_start3A_190 = tpu.memref_squeeze %dma_start3A_189 : memref<1x128x64xf32, #tpu.memory_space<vmem>> -> memref<128x64xf32, #tpu.memory_space<vmem>>
          %dma_start3A_191 = arith.constant 0 : i32
          %dma_start3A_192 = tpu.memref_slice %arg10[%add3A_184, %dma_start3A_191] : memref<32x128xi32, #tpu.memory_space<vmem>> -> memref<1x128xi32, #tpu.memory_space<vmem>>
          %dma_start3A_193 = tpu.memref_squeeze %dma_start3A_192 : memref<1x128xi32, #tpu.memory_space<vmem>> -> memref<128xi32, #tpu.memory_space<vmem>>
          %dma_start3A_194 = arith.constant 0 : i32
          %dma_start3A_195 = arith.constant 0 : i32
          %dma_start3A_196 = tpu.memref_slice %arg14[%dma_start3A_194, %dma_start3A_195] : memref<10000x64xf32, #tpu.memory_space<vmem_shared>> -> memref<10000x64xf32, #tpu.memory_space<vmem_shared>>
          %dma_start3A_197 = tpu.memref_slice %arg17[%dma_start3A_186] : memref<2x!tpu.dma_semaphore, #tpu.memory_space<semaphore_mem>> -> memref<1x!tpu.dma_semaphore, #tpu.memory_space<semaphore_mem>>
          %dma_start3A_198 = tpu.memref_squeeze %dma_start3A_197 : memref<1x!tpu.dma_semaphore, #tpu.memory_space<semaphore_mem>> -> memref<!tpu.dma_semaphore, #tpu.memory_space<semaphore_mem>>
          tpu.enqueue_indirect_dma source(%dma_start3A_196 : memref<10000x64xf32, #tpu.memory_space<vmem_shared>>) target(%dma_start3A_190 : memref<128x64xf32, #tpu.memory_space<vmem>>) offsets(%dma_start3A_193 : memref<128xi32, #tpu.memory_space<vmem>>) semaphore(%dma_start3A_198 : memref<!tpu.dma_semaphore, #tpu.memory_space<semaphore_mem>>)
        } else {
        }
      }
      %scan3A_66 = arith.constant 16 : i32
      %dma_wait3A = arith.constant 1 : i32
      %dma_wait3A_67 = arith.constant 0 : i32
      %dma_wait3A_68 = arith.constant 1 : i32
      %dma_wait3A_69 = arith.constant 0 : i32
      %dma_wait3A_70 = arith.constant 0 : i32
      %dma_wait3A_71 = tpu.memref_slice %arg12[%dma_wait3A, %dma_wait3A_69, %dma_wait3A_70] : memref<2x128x64xf32, #tpu.memory_space<vmem>> -> memref<1x128x64xf32, #tpu.memory_space<vmem>>
      %dma_wait3A_72 = tpu.memref_squeeze %dma_wait3A_71 : memref<1x128x64xf32, #tpu.memory_space<vmem>> -> memref<128x64xf32, #tpu.memory_space<vmem>>
      %dma_wait3A_73 = arith.constant 0 : i32
      %dma_wait3A_74 = tpu.memref_slice %arg11[%dma_wait3A_67, %dma_wait3A_73] : memref<32x128xi32, #tpu.memory_space<vmem>> -> memref<1x128xi32, #tpu.memory_space<vmem>>
      %dma_wait3A_75 = tpu.memref_squeeze %dma_wait3A_74 : memref<1x128xi32, #tpu.memory_space<vmem>> -> memref<128xi32, #tpu.memory_space<vmem>>
      %dma_wait3A_76 = arith.constant 0 : i32
      %dma_wait3A_77 = arith.constant 0 : i32
      %dma_wait3A_78 = tpu.memref_slice %arg15[%dma_wait3A_76, %dma_wait3A_77] : memref<10240x64xf32, #tpu.memory_space<vmem_shared>> -> memref<10240x64xf32, #tpu.memory_space<vmem_shared>>
      %dma_wait3A_79 = tpu.memref_slice %arg18[%dma_wait3A_68] : memref<2x!tpu.dma_semaphore, #tpu.memory_space<semaphore_mem>> -> memref<1x!tpu.dma_semaphore, #tpu.memory_space<semaphore_mem>>
      %dma_wait3A_80 = tpu.memref_squeeze %dma_wait3A_79 : memref<1x!tpu.dma_semaphore, #tpu.memory_space<semaphore_mem>> -> memref<!tpu.dma_semaphore, #tpu.memory_space<semaphore_mem>>
      tpu.wait_indirect_dma semaphore(%dma_wait3A_80 : memref<!tpu.dma_semaphore, #tpu.memory_space<semaphore_mem>>) src(%dma_wait3A_72 : memref<128x64xf32, #tpu.memory_space<vmem>>) dst(%dma_wait3A_78 : memref<10240x64xf32, #tpu.memory_space<vmem_shared>>)
      %scan3A_81 = arith.constant 0 : i32
      %scan3A_82 = arith.constant 0 : i32
      %scan3A_83 = arith.constant 16 : i32
      %scan3A_84 = arith.addi %scan3A_82, %scan3A_83 : i32
      %scan3A_85 = arith.constant 1 : i32
      scf.for %scan3A_87 = %scan3A_82 to %scan3A_84 step %scan3A_85  : i32 {
        %dma_wait3A_88 = arith.constant 0 : i32
        %dma_wait3A_89 = arith.constant 0 : i32
        %dma_wait3A_90 = tpu.memref_slice %arg11[%dma_wait3A_88, %dma_wait3A_89] : memref<32x128xi32, #tpu.memory_space<vmem>> -> memref<1x128xi32, #tpu.memory_space<vmem>>
        %dma_wait3A_91 = tpu.memref_squeeze %dma_wait3A_90 : memref<1x128xi32, #tpu.memory_space<vmem>> -> memref<128xi32, #tpu.memory_space<vmem>>
        %dma_wait3A_92 = arith.constant 0 : i32
        %dma_wait3A_93 = arith.constant 0 : i32
        %dma_wait3A_94 = tpu.memref_slice %arg16[%dma_wait3A_92, %dma_wait3A_93] : memref<10240x16xf32, #tpu.memory_space<vmem_shared>> -> memref<10240x16xf32, #tpu.memory_space<vmem_shared>>
        tpu.wait_indirect_dma semaphore(%arg19 : memref<!tpu.dma_semaphore, #tpu.memory_space<semaphore_mem>>) src(%arg13 : memref<128x16xf32, #tpu.memory_space<vmem>>) dst(%dma_wait3A_94 : memref<10240x16xf32, #tpu.memory_space<vmem_shared>>)
      }
      %scan3A_86 = arith.constant 16 : i32
    }
    %scan3A_13 = arith.constant 5 : i32
    %barrier3A_14 = arith.constant 0 : index
    tpu.barrier barrier_id(%barrier3A_14)
    %mul3A_15 = arith.constant 640 : i32
    %mul3A_16 = arith.muli %arg1, %mul3A_15 : i32
    %mul3A_17 = arith.constant 640 : i32
    %mul3A_18 = arith.muli %arg1, %mul3A_17 : i32
    %mul3A_19 = arith.constant 64 : i32
    %mul3A_20 = arith.muli %arg0, %mul3A_19 : i32
    "tpu.region"() ({
      %run_scoped3A = tpu.sem_alloc : memref<!tpu.dma_semaphore, #tpu.memory_space<semaphore_mem>>
      %dma_start3A = tpu.memref_slice %arg8[%mul3A_18, %mul3A_20] : memref<10240x128xf32, #tpu.memory_space<hbm>> -> memref<640x64xf32, #tpu.memory_space<hbm>>
      %dma_start3A_27 = arith.constant 0 : i32
      %dma_start3A_28 = tpu.memref_slice %arg15[%mul3A_16, %dma_start3A_27] : memref<10240x64xf32, #tpu.memory_space<vmem_shared>> -> memref<640x64xf32, #tpu.memory_space<vmem_shared>>
      tpu.enqueue_dma source(%dma_start3A_28 : memref<640x64xf32, #tpu.memory_space<vmem_shared>>) target(%dma_start3A : memref<640x64xf32, #tpu.memory_space<hbm>>) target_semaphore(%run_scoped3A : memref<!tpu.dma_semaphore, #tpu.memory_space<semaphore_mem>>)
      %dma_wait3A = tpu.memref_slice %arg8[%mul3A_18, %mul3A_20] : memref<10240x128xf32, #tpu.memory_space<hbm>> -> memref<640x64xf32, #tpu.memory_space<hbm>>
      %dma_wait3A_29 = arith.constant 0 : i32
      %dma_wait3A_30 = tpu.memref_slice %arg15[%mul3A_16, %dma_wait3A_29] : memref<10240x64xf32, #tpu.memory_space<vmem_shared>> -> memref<640x64xf32, #tpu.memory_space<vmem_shared>>
      tpu.wait_dma2 semaphore(%run_scoped3A : memref<!tpu.dma_semaphore, #tpu.memory_space<semaphore_mem>>) src(%dma_wait3A_30 : memref<640x64xf32, #tpu.memory_space<vmem_shared>>) dst(%dma_wait3A : memref<640x64xf32, #tpu.memory_space<hbm>>)
      tpu.yield
    }) : () -> ()
    %mul3A_21 = arith.constant 640 : i32
    %mul3A_22 = arith.muli %arg1, %mul3A_21 : i32
    %mul3A_23 = arith.constant 640 : i32
    %mul3A_24 = arith.muli %arg1, %mul3A_23 : i32
    %mul3A_25 = arith.constant 16 : i32
    %mul3A_26 = arith.muli %arg0, %mul3A_25 : i32
    "tpu.region"() ({
      %run_scoped3A = tpu.sem_alloc : memref<!tpu.dma_semaphore, #tpu.memory_space<semaphore_mem>>
      %dma_start3A = tpu.memref_slice %arg9[%mul3A_24, %mul3A_26] : memref<10240x32xf32, #tpu.memory_space<hbm>> -> memref<640x16xf32, #tpu.memory_space<hbm>>
      %dma_start3A_27 = arith.constant 0 : i32
      %dma_start3A_28 = tpu.memref_slice %arg16[%mul3A_22, %dma_start3A_27] : memref<10240x16xf32, #tpu.memory_space<vmem_shared>> -> memref<640x16xf32, #tpu.memory_space<vmem_shared>>
      tpu.enqueue_dma source(%dma_start3A_28 : memref<640x16xf32, #tpu.memory_space<vmem_shared>>) target(%dma_start3A : memref<640x16xf32, #tpu.memory_space<hbm>>) target_semaphore(%run_scoped3A : memref<!tpu.dma_semaphore, #tpu.memory_space<semaphore_mem>>)
      %dma_wait3A = tpu.memref_slice %arg9[%mul3A_24, %mul3A_26] : memref<10240x32xf32, #tpu.memory_space<hbm>> -> memref<640x16xf32, #tpu.memory_space<hbm>>
      %dma_wait3A_29 = arith.constant 0 : i32
      %dma_wait3A_30 = tpu.memref_slice %arg16[%mul3A_22, %dma_wait3A_29] : memref<10240x16xf32, #tpu.memory_space<vmem_shared>> -> memref<640x16xf32, #tpu.memory_space<vmem_shared>>
      tpu.wait_dma2 semaphore(%run_scoped3A : memref<!tpu.dma_semaphore, #tpu.memory_space<semaphore_mem>>) src(%dma_wait3A_30 : memref<640x16xf32, #tpu.memory_space<vmem_shared>>) dst(%dma_wait3A : memref<640x16xf32, #tpu.memory_space<hbm>>)
      tpu.yield
    }) : () -> ()
    return
  }
}

module attributes {stable_mosaic.version = 14 : i64} {
  func.func @_tc_body(%arg0: memref<10240x128xf32, #tpu.memory_space<vmem>>, %arg1: memref<10240x32xf32, #tpu.memory_space<vmem>>, %arg2: memref<10000x128xf32, #tpu.memory_space<vmem>>, %arg3: memref<128x128xf32, #tpu.memory_space<vmem>>, %arg4: memref<128xf32, #tpu.memory_space<vmem>>, %arg5: memref<128x128xf32, #tpu.memory_space<vmem>>, %arg6: memref<128xf32, #tpu.memory_space<vmem>>, %arg7: memref<128xf32, #tpu.memory_space<vmem>>, %arg8: memref<10000x128xf32, #tpu.memory_space<vmem>>) attributes {dimension_semantics = [], scalar_prefetch = 0 : i64, scratch_operands = 0 : i64, tpu.core_type = #tpu.core_type<tc>} {
    %get3A = arith.constant 0 : index
    %get3A_0 = arith.constant 0 : index
    %get3A_1 = vector.load %arg0[%get3A, %get3A_0] : memref<10240x128xf32, #tpu.memory_space<vmem>>, vector<10000x128xf32>
    %get3A_2 = arith.constant 0 : index
    %get3A_3 = arith.constant 0 : index
    %get3A_4 = vector.load %arg1[%get3A_2, %get3A_3] : memref<10240x32xf32, #tpu.memory_space<vmem>>, vector<10000x1xf32>
    %get3A_5 = arith.constant 0 : index
    %get3A_6 = arith.constant 16 : index
    %get3A_7 = vector.load %arg1[%get3A_5, %get3A_6] : memref<10240x32xf32, #tpu.memory_space<vmem>>, vector<10000x1xf32>
    %add3A = arith.addf %get3A_4, %get3A_7 : vector<10000x1xf32>
    %max3A = arith.constant 1.000000e+00 : f32
    %max3A_8 = vector.broadcast %max3A : f32 to vector<10000x1xf32>
    %max3A_9 = arith.maximumf %add3A, %max3A_8 : vector<10000x1xf32>
    %div3A = vector.broadcast %max3A_9 : vector<10000x1xf32> to vector<10000x128xf32>
    %div3A_10 = arith.divf %get3A_1, %div3A : vector<10000x128xf32>
    %get3A_11 = arith.constant 0 : index
    %get3A_12 = arith.constant 0 : index
    %get3A_13 = vector.load %arg3[%get3A_11, %get3A_12] : memref<128x128xf32, #tpu.memory_space<vmem>>, vector<128x128xf32>
    %dot_general3A = arith.constant dense<0.000000e+00> : vector<10000x128xf32>
    %dot_general3A_14 = tpu.matmul %div3A_10, %get3A_13, %dot_general3A {dimension_numbers = #tpu.dot_dimension_numbers<[1], [0], [0], [1], [0, 0, 1, 1], [], []>, transpose_lhs_hint = false} : vector<10000x128xf32>, vector<128x128xf32>, vector<10000x128xf32> -> vector<10000x128xf32>
    %get3A_15 = arith.constant 0 : index
    %get3A_16 = arith.constant 0 : index
    %get3A_17 = vector.load %arg2[%get3A_15, %get3A_16] : memref<10000x128xf32, #tpu.memory_space<vmem>>, vector<10000x128xf32>
    %get3A_18 = arith.constant 0 : index
    %get3A_19 = arith.constant 0 : index
    %get3A_20 = vector.load %arg5[%get3A_18, %get3A_19] : memref<128x128xf32, #tpu.memory_space<vmem>>, vector<128x128xf32>
    %dot_general3A_21 = arith.constant dense<0.000000e+00> : vector<10000x128xf32>
    %dot_general3A_22 = tpu.matmul %get3A_17, %get3A_20, %dot_general3A_21 {dimension_numbers = #tpu.dot_dimension_numbers<[1], [0], [0], [1], [0, 0, 1, 1], [], []>, transpose_lhs_hint = false} : vector<10000x128xf32>, vector<128x128xf32>, vector<10000x128xf32> -> vector<10000x128xf32>
    %add3A_23 = arith.addf %dot_general3A_14, %dot_general3A_22 : vector<10000x128xf32>
    %get3A_24 = arith.constant 0 : index
    %get3A_25 = vector.load %arg4[%get3A_24] : memref<128xf32, #tpu.memory_space<vmem>>, vector<128xf32>
    %broadcast_in_dim3A = vector.shape_cast %get3A_25 : vector<128xf32> to vector<1x128xf32>
    %add3A_26 = vector.broadcast %broadcast_in_dim3A : vector<1x128xf32> to vector<10000x128xf32>
    %add3A_27 = arith.addf %add3A_23, %add3A_26 : vector<10000x128xf32>
    %max3A_28 = arith.constant 0.000000e+00 : f32
    %max3A_29 = vector.broadcast %max3A_28 : f32 to vector<10000x128xf32>
    %max3A_30 = arith.maximumf %add3A_27, %max3A_29 : vector<10000x128xf32>
    %reduce_sum3A = arith.constant dense<0.000000e+00> : vector<128xf32>
    %reduce_sum3A_31 = vector.multi_reduction <add>, %max3A_30, %reduce_sum3A [0] : vector<10000x128xf32> to vector<128xf32>
    %broadcast_in_dim3A_32 = vector.shape_cast %reduce_sum3A_31 : vector<128xf32> to vector<1x128xf32>
    %div3A_33 = arith.constant 1.000000e+04 : f32
    %div3A_34 = vector.broadcast %div3A_33 : f32 to vector<1x128xf32>
    %div3A_35 = arith.divf %broadcast_in_dim3A_32, %div3A_34 : vector<1x128xf32>
    %sub3A = vector.broadcast %div3A_35 : vector<1x128xf32> to vector<10000x128xf32>
    %sub3A_36 = arith.subf %max3A_30, %sub3A : vector<10000x128xf32>
    %mul3A = arith.mulf %sub3A_36, %sub3A_36 : vector<10000x128xf32>
    %reduce_sum3A_37 = arith.constant dense<0.000000e+00> : vector<128xf32>
    %reduce_sum3A_38 = vector.multi_reduction <add>, %mul3A, %reduce_sum3A_37 [0] : vector<10000x128xf32> to vector<128xf32>
    %broadcast_in_dim3A_39 = vector.shape_cast %reduce_sum3A_38 : vector<128xf32> to vector<1x128xf32>
    %div3A_40 = arith.constant 1.000000e+04 : f32
    %div3A_41 = vector.broadcast %div3A_40 : f32 to vector<1x128xf32>
    %div3A_42 = arith.divf %broadcast_in_dim3A_39, %div3A_41 : vector<1x128xf32>
    %add3A_43 = arith.constant 9.99999974E-6 : f32
    %add3A_44 = vector.broadcast %add3A_43 : f32 to vector<1x128xf32>
    %add3A_45 = arith.addf %div3A_42, %add3A_44 : vector<1x128xf32>
    %rsqrt3A = math.rsqrt %add3A_45 : vector<1x128xf32>
    %mul3A_46 = vector.broadcast %rsqrt3A : vector<1x128xf32> to vector<10000x128xf32>
    %mul3A_47 = arith.mulf %sub3A_36, %mul3A_46 : vector<10000x128xf32>
    %get3A_48 = arith.constant 0 : index
    %get3A_49 = vector.load %arg6[%get3A_48] : memref<128xf32, #tpu.memory_space<vmem>>, vector<128xf32>
    %broadcast_in_dim3A_50 = vector.shape_cast %get3A_49 : vector<128xf32> to vector<1x128xf32>
    %mul3A_51 = vector.broadcast %broadcast_in_dim3A_50 : vector<1x128xf32> to vector<10000x128xf32>
    %mul3A_52 = arith.mulf %mul3A_47, %mul3A_51 : vector<10000x128xf32>
    %get3A_53 = arith.constant 0 : index
    %get3A_54 = vector.load %arg7[%get3A_53] : memref<128xf32, #tpu.memory_space<vmem>>, vector<128xf32>
    %broadcast_in_dim3A_55 = vector.shape_cast %get3A_54 : vector<128xf32> to vector<1x128xf32>
    %add3A_56 = vector.broadcast %broadcast_in_dim3A_55 : vector<1x128xf32> to vector<10000x128xf32>
    %add3A_57 = arith.addf %mul3A_52, %add3A_56 : vector<10000x128xf32>
    %swap3A = arith.constant 0 : index
    %swap3A_58 = arith.constant 0 : index
    %swap3A_59 = vector.load %arg8[%swap3A, %swap3A_58] : memref<10000x128xf32, #tpu.memory_space<vmem>>, vector<10000x128xf32>
    tpu.vector_store %arg8[%swap3A, %swap3A_58], %add3A_57 {strides = array<i32>} : memref<10000x128xf32, #tpu.memory_space<vmem>>, vector<10000x128xf32>,
    return
  }
}

</mosaic_0001>

<sc_bundles>
// kernel: kernel.4.cloned.1.call-start
scs
__scs_entry_jumppad:
0x0: {  	(pc) =	sbr.rel $0x88, $3  }
0x1: {  	(tag) =	ssettag $0x0;
	lr =	simm.s32 $0x1  }
0x2: {  	[smem:$0x3F9A] =	sst lr;
	_ =	strace $0xD0000000  }
0x3: {  	_ = 	snop  }
0x4: {  	_ = 	snop  }
0x5: {  	_ = 	snop  }
0x6: {  	_ = 	snop  }
0x7: {  	_ = 	snop  }
__scs_overlays_trampoline_lowered:
0x8: {  	[smem:$0x3FA9] =	sst s0  }
0x9: {  	[smem:$0x3FAA] =	sst s1  }
0xa: {  	[smem:$0x3FAB] =	sst s2  }
0xb: {  	[smem:$0x3FAC] =	sst s3  }
0xc: {  	[smem:$0x3FAD] =	sst s4  }
0xd: {  	[smem:$0x3FAE] =	sst s5  }
0xe: {  	[smem:$0x3FAF] =	sst s6  }
0xf: {  	[smem:$0x3FB0] =	sst s7  }
0x10: {  	[smem:$0x3FB1] =	sst s8  }
0x11: {  	[smem:$0x3FB2] =	sst s9;
	s0 =	simm.s32 @!p0 $0x0  }
0x12: {  	s1 =	sld [smem:$0x3F98];
	s0 =	simm.s32 @p0 $0x1  }
0x13: {  	[smem:$0x3FB3] =	sst s0;
	s0 =	simm.s32 @!p1 $0x0  }
0x14: {  	s2 =	sld [smem:$0x3F97];
	s0 =	simm.s32 @p1 $0x1  }
0x15: {  	[smem:$0x3FB4] =	sst s0;
	s0 =	simm.s32 @!p2 $0x0  }
0x16: {  	s3 =	sld [smem:$0x3FDB];
	s0 =	simm.s32 @p2 $0x1  }
0x17: {  	s4 =	simm.s32 $0x1BF5;
	[smem:$0x3FB6] =	sst s0  }
0x18: {  	s0 =	sld [smem:$0x3F99];
	_ =	swait.ge [sflag:s4], $0x0  }
0x19: {  	s7 =	sld [smem:$0x3F9A]  }
0x1a: {  	s8 =	sadd.s32 $0xFFFFE003, lr  }
0x1b: {  	s9 =	sadd.s32 $0xFFFFFEF7, lr;
	s5 =	simm.s32 $0xFFFFFFFF;
	p2 =	slt.u32 s8, $0xFFFFF086  }
0x1c: {  	p1 =	slt.u32 s9, $0xF7A;
	s5 =	simm.s32 @!p2 $0x0  }
0x1d: {  	s5 =	simm.s32 @p1 $0x1;
	p0 =	seq.s32 s7, s2  }
0x1e: {  	s7 =	smul.u32 @!p0 $0xF7A, s2;
	p2 =	seq.s32 @!p0 s5, $0x0  }
0x1f: {  	s9 =	smul.u32 $0xF7A, s1;
	s8 =	simm.s32 @!p0 $0x1BF5;
	p2 =	por !p2, p0  }
0x20: {  	[sflag:s8] =	ssyncset.s32 @!p0 $0xFFFFF086;
	s6 =	sadd.s32 @!p0 s3, s7;
	s7 =	simm.s32 @!p0 $0x108  }
0x21: {  	s3 =	sadd.s32 s3, s9;
	s6 =	sadd.s32 @!p0 $0x88, s6;
	s7 =	simm.s32 @p2 $0x1082  }
0x22: {  	[simem:s7], [sflag:s8] =	dma.local @!p0 [hbm:s6], $0xF7A  }
0x23: {  	s9 =	sor.u32 $0xD0000000, s2;
	s6 =	simm.s32 $0x108;
	_ =	swait.ge @!p0 [sflag:s8], $0x0  }
0x24: {  	s3 =	sadd.s32 $0x88, s3;
	s6 =	simm.s32 @!p1 $0x1082;
	[sflag:s4] =	ssyncset.s32 $0xFFFFF086  }
0x25: {  	[simem:s6], [sflag:s4] =	dma.local [hbm:s3], $0xF7A  }
0x26: {  	[smem:$0x3F9A] =	sst s1;
	(tag) =	ssettag s2;
	_ =	strace s9  }
0x27: {  	s1 =	sld [smem:$0x3FAA]  }
0x28: {  	s2 =	sld [smem:$0x3FAB]  }
0x29: {  	s4 =	sld [smem:$0x3FAD]  }
0x2a: {  	p0 =	seq.s32 s5, $0x0;
	s5 =	sld [smem:$0x3FAE]  }
0x2b: {  	s6 =	sld [smem:$0x3FAF]  }
0x2c: {  	s7 =	sld [smem:$0x3FB0]  }
0x2d: {  	s3 =	simm.s32 $0x108;
	s8 =	sld [smem:$0x3FB1]  }
0x2e: {  	s3 =	simm.s32 @!p0 $0x1082;
	s9 =	sld [smem:$0x3FB2]  }
0x2f: {  	lr =	sadd.s32 s0, s3;
	s0 =	sld [smem:$0x3FA9]  }
0x30: {  	s3 =	sld [smem:$0x3FAC]  }
0x31: {  	[smem:$0x3FB5] =	sst s10  }
0x32: {  	s10 =	sld [smem:$0x3FB3];
	_ =	sdelay $0x3  }
0x33: {  	p0 =	seq.s32 s10, $0x1;
	s10 =	sld [smem:$0x3FB5];
	_ =	sdelay $0x3  }
0x34: {  	[smem:$0x3FB5] =	sst s10  }
0x35: {  	s10 =	sld [smem:$0x3FB4];
	_ =	sdelay $0x3  }
0x36: {  	p1 =	seq.s32 s10, $0x1;
	s10 =	sld [smem:$0x3FB5];
	_ =	sdelay $0x3  }
0x37: {  	[smem:$0x3FB5] =	sst s10  }
0x38: {  	s10 =	sld [smem:$0x3FB6]  }
0x39: {  	_ = 	snop;
	(pc) =	sbr.ind lr, $3  }
0x3a: {  	_ = 	snop  }
0x3b: {  	_ = 	snop  }
0x3c: {  	p2 =	seq.s32 s10, $0x1;
	s10 =	sld [smem:$0x3FB5]  }
0x3d: {  	_ =	shalt  }
0x3e: {  	_ =	shalt  }
0x3f: {  	_ =	shalt  }
0x40: {  	_ =	shalt  }
0x41: {  	_ =	shalt  }
0x42: {  	_ =	shalt  }
0x43: {  	_ =	shalt  }
0x44: {  	_ =	shalt  }
0x45: {  	_ =	shalt  }
0x46: {  	_ =	shalt  }
0x47: {  	_ =	shalt  }
0x48: {  	_ =	shalt  }
0x49: {  	_ =	shalt  }
0x4a: {  	_ =	shalt  }
0x4b: {  	_ =	shalt  }
0x4c: {  	_ =	shalt  }
0x4d: {  	_ =	shalt  }
0x4e: {  	_ =	shalt  }
0x4f: {  	_ =	shalt  }
0x50: {  	_ =	shalt  }
0x51: {  	_ =	shalt  }
0x52: {  	_ =	shalt  }
0x53: {  	_ =	shalt  }
0x54: {  	_ =	shalt  }
0x55: {  	_ =	shalt  }
0x56: {  	_ =	shalt  }
0x57: {  	_ =	shalt  }
0x58: {  	_ =	shalt  }
0x59: {  	_ =	shalt  }
0x5a: {  	_ =	shalt  }
0x5b: {  	_ =	shalt  }
0x5c: {  	_ =	shalt  }
0x5d: {  	_ =	shalt  }
0x5e: {  	_ =	shalt  }
0x5f: {  	_ =	shalt  }
0x60: {  	_ =	shalt  }
0x61: {  	_ =	shalt  }
0x62: {  	_ =	shalt  }
0x63: {  	_ =	shalt  }
0x64: {  	_ =	shalt  }
0x65: {  	_ =	shalt  }
0x66: {  	_ =	shalt  }
0x67: {  	_ =	shalt  }
0x68: {  	_ =	shalt  }
0x69: {  	_ =	shalt  }
0x6a: {  	_ =	shalt  }
0x6b: {  	_ =	shalt  }
0x6c: {  	_ =	shalt  }
0x6d: {  	_ =	shalt  }
0x6e: {  	_ =	shalt  }
0x6f: {  	_ =	shalt  }
0x70: {  	_ =	shalt  }
0x71: {  	_ =	shalt  }
0x72: {  	_ =	shalt  }
0x73: {  	_ =	shalt  }
0x74: {  	_ =	shalt  }
0x75: {  	_ =	shalt  }
0x76: {  	_ =	shalt  }
0x77: {  	_ =	shalt  }
0x78: {  	_ =	shalt  }
0x79: {  	_ =	shalt  }
0x7a: {  	_ =	shalt  }
0x7b: {  	_ =	shalt  }
0x7c: {  	_ =	shalt  }
0x7d: {  	_ =	shalt  }
0x7e: {  	_ =	shalt  }
0x7f: {  	_ =	shalt  }
0x80: {  	_ =	shalt  }
0x81: {  	_ =	shalt  }
0x82: {  	_ =	shalt  }
0x83: {  	_ =	shalt  }
0x84: {  	_ =	shalt  }
0x85: {  	_ =	shalt  }
0x86: {  	_ =	shalt  }
0x87: {  	_ =	shalt  }
.Lfunc_end0:
.L_simem_size_0:
called_computation_lowered:
.L_overlay_start_0:
0x88: {  	s2 =	sld [smem:$0x3FD9]  }
0x89: {  	s3 =	sld [smem:$0x3FFE];
	_ =	sdelay $0x1  }
0x8a: {  	s1 =	srdreg.scid  }
0x8b: {  	s0 =	sand.u32 $0x1, s1  }
0x8c: {  	s17 =	sshll.u32 s0, $0xA;
	s2 =	sadd.s32 s3, s2  }
0x8d: {  	s2 =	sadd.s32 s2, s17  }
0x8e: {  	[smem:$0x3FC1] =	sst s2  }
0x8f: {  	_ = 	snop  }
0x90: {  	s2 =	sld [smem:$0x3FC9]  }
0x91: {  	s18 =	sld [smem:$0x3FD0];
	(tm) =	ssettm $0x1  }
0x92: {  	s4 =	sld [smem:$0x3FFB];
	_ =	sdelay $0x3  }
0x93: {  	_ =	strace s4  }
0x94: {  	s4 =	sld [smem:$0x3FFC];
	_ =	sdelay $0x3  }
0x95: {  	_ =	strace s4  }
0x96: {  	s4 =	sld [smem:$0x3FFD];
	_ =	sdelay $0x3  }
0x97: {  	_ =	strace s4  }
0x98: {  	_ =	strace $0x8FFFFFFF  }
0x99: {  	s19 =	sld [smem:$0x3FDB];
	_ =	sdelay $0x1  }
0x9a: {  	s5 =	simm.s32 $_scs_section_size  }
0x9b: {  	s6 =	simm.s32 $_size__tile_overlayer_lowered;
	s7 =	simm.s32 $_tile_overlayer_lowered  }
0x9c: {  	s22 =	simm.s32 $0x1BFF;
	s21 =	sshll.u32 s7, $0x1;
	s4 =	sadd.s32 s5, s19  }
0x9d: {  	s8 =	simm.s32 $0x0;
	s20 =	sshll.u32 s6, $0x1;
	s6 =	sadd.s32 s21, s4  }
0x9e: {  	[timem:s8], [sflag:s22] =	dma.local [hbm:s6], s20  }
0x9f: {  	_ =	swait.ge [sflag:s22], s20  }
0xa0: {  	s5 =	ssub.s32 $0x0, s20;
	[sflag:s22] =	ssyncset.done $0x0  }
0xa1: {  	[sflag:s22] =	ssyncadd.s32 s5;
	_ =	sdelay $0x1  }
0xa2: {  	s23 =	simm.s32 $0x1B8B  }
0xa3: {  	_ =	swait.ge [sflag:s23], $0x1  }
0xa4: {  	[sflag:s23] =	ssyncset.done $0x0  }
0xa5: {  	s25 =	simm.s32 $0x1B8E;
	s24 =	sld [smem:$0x3FFE];
	[sflag:s23] =	ssyncadd.s32 $0xFFFFFFFF  }
0xa6: {  	s26 =	simm.s32 $execute0_lowered;
	[smem:$0x3FD2] =	sst s25  }
0xa7: {  	s6 =	sshll.u32 s26, $0x1;
	_ =	strace $0x80000046;
	[dreg:$0x1] =	wrdreg $0xFFFFFFFF  }
0xa8: {  	s28 =	simm.s32 $_size_execute0_lowered;
	s4 =	sadd.s32 s4, s6;
	[dreg:$0x0] =	wrdreg $0x0  }
0xa9: {  	s6 =	sshll.u32 s28, $0x1;
	[dreg:$0x2] =	wrdreg s4  }
0xaa: {  	[dreg:$0x3] =	wrdreg s6  }
0xab: {  	[dreg:$0x4] =	wrdreg $0xC0  }
0xac: {  	_ =	task [dreg:s8], $0x5FFFF  }
0xad: {  	[dreg:$0x1] =	wrdreg $0xFFFFFFFF  }
0xae: {  	[dreg:$0x0] =	wrdreg $0x60  }
0xaf: {  	[dreg:$0x2] =	wrdreg s18  }
0xb0: {  	[dreg:$0x3] =	wrdreg s24  }
0xb1: {  	[dreg:$0x4] =	wrdreg s2  }
0xb2: {  	[dreg:$0x5] =	wrdreg $0x68000  }
0xb3: {  	[dreg:$0x6] =	wrdreg $0x104400  }
0xb4: {  	[dreg:$0x7] =	wrdreg $0x1A4400  }
0xb5: {  	[dreg:$0x8] =	wrdreg $0x9  }
0xb6: {  	_ =	task.clear_ibuf [dreg:s8], $0x9FFFF;
	_ =	strace $0x90000046  }
0xb7: {  	s29 =	simm.s32 $0x9;
	_ =	strace $0x80000048  }
0xb8: {  	_ =	swait.ge [sflag:s29], $0x1  }
0xb9: {  	[sflag:s29] =	ssyncadd.s32 $0xFFFFFFFF  }
0xba: {  	_ =	strace $0x90000048  }
0xbb: {  	_ =	sfence  }
0xbc: {  	s30 =	sld [smem:$0x0];
	_ =	sdelay $0x2  }
0xbd: {  	s31 =	sshll.u32 s1, $0xD;
	s1 =	sshrl.u32 s1, $0x2  }
0xbe: {  	s3 =	sand.u32 $0x4000, s31;
	s1 =	sadd.s32 s1, s30  }
0xbf: {  	s0 =	sor.u32 s3, s0;
	s1 =	sshll.u32 s1, $0x11  }
0xc0: {  	s0 =	sor.u32 s1, s0  }
0xc1: {  	s0 =	sadd.s32 $0x8F2B, s0  }
0xc2: {  	[sflag:s0] =	ssyncadd.remote.s32 $0x1  }
0xc3: {  	_ =	sfence.sel $0xFFFF  }
0xc4: {  	[dreg:$0x0] =	wrdreg $0xFFFFFFFF;
	(pc) =	sbr.abs _section_cstart, $3  }
0xc5: {  	[dreg:$0x1] =	wrdreg $0xFFFFFFFF  }
0xc6: {  	_ =	task.clear_ibuf [dreg:s8], $0x2FFFF;
	_ =	strace $0x9FFFFFFF  }
0xc7: {  	(tm) =	ssettm $0x7FFFFFFF  }
tec
execute0_lowered:
.L_overlay_start_1:
0x0: {  	(tag) =	ssettag $0x1  }
0x1: {  	s1 =	rddreg [dreg:$0x0]  }
0x2: {  	s0 =	rddreg [dreg:$0x1]  }
0x3: {  	s5 =	rddreg [dreg:$0x2]  }
0x4: {  	s2 =	rddreg [dreg:$0x3]  }
0x5: {  	s3 =	rddreg [dreg:$0x4]  }
0x6: {  	s4 =	rddreg [dreg:$0x5];
	s6 =	simm.s32 $0x0;
	s7 =	srdreg.scid  }
0x7: {  	s17 =	stileid.u32;
	s28 =	simm.s32 $0x2000;
	s29 =	simm.s32 $0x4000  }
0x8: {  	s30 =	simm.s32 $0x3;
	s31 =	simm.s32 $0x100;
	s9 =	smul.u32 $0x14000, s17  }
0x9: {  	[smem:$0x7FF] =	sst s6;
	s8 =	sand.u32 $0x1, s7;
	s16 =	smul.u32 $0x27100, s17  }
0xa: {  	s7 =	sadd.s32 $0x1400, s0;
	s10 =	sadd.s32 $0xBC00, s0;
	s19 =	smul.u32 $0x28000, s17  }
0xb: {  	s13 =	sadd.s32 $0xB600, s0;
	s12 =	sadd.s32 $0xB400, s0;
	s21 =	smul.u32 $0xA000, s17  }
0xc: {  	s22 =	sshll.u32 s17, $0x6;
	_ =	strace $0x80000047;
	[dreg:$0x7] =	wrdreg s10  }
0xd: {  	s11 =	sshll.u32 s8, $0x6;
	[dreg:$0x8] =	wrdreg s13;
	s10 =	smul.u32 $0x5000, s17  }
0xe: {  	[dreg:$0x9] =	wrdreg s12;
	s14 =	sshll.u32 s8, $0x4;
	s13 =	ssub.s32 $0x2, s8  }
0xf: {  	p0 =	sne.s32 s8, $0x0;
	p1 =	seq.s32 s8, $0x0;
	s8 =	simm.s32 $0x0  }
0x10: {  	s9 =	sor.u32 s11, s9;
	s15 =	sshrl.u32 s13, $0x1;
	s18 =	sshrl.u32 s16, $0x2  }
0x11: {  	s23 =	sshrl.u32 s19, $0x2;
	s25 =	sshrl.u32 s21, $0x2;
	s21 =	simm.s32 $0x6  }
0x12: {  	s9 =	sshrl.u32 s9, $0x3;
	s12 =	sor.u32 s14, s10;
	s14 =	smul.u32 $0x13880, s17  }
0x13: {  	s15 =	ssub.s32 s13, s15;
	s20 =	sadd.s32 s18, s2;
	s13 =	sor.u32 $0x1C06, s22  }
0x14: {  	s24 =	sadd.s32 s23, s3;
	s18 =	simm.s32 $0x1;
	s12 =	sshrl.u32 s12, $0x3  }
0x15: {  	s9 =	sadd.s32 s9, s0;
	s26 =	smax.u32 s15, $0x1;
	s17 =	sshrl.u32 s20, $0x3  }
0x16: {  	s22 =	sshrl.u32 s24, $0x3;
	s24 =	simm.s32 $0x5;
	s0 =	sadd.s32 s12, s0  }
0x17: {  	s11 =	sor.u32 s11, s14;
	s9 =	sadd.s32 $0x17000, s9;
	[dreg:$0xd] =	wrdreg s26  }
.Ltmp0:
0x18: {  	s12 =	simm.s32 $0x8;
	s14 =	simm.s32 $0x10;
	(pc) =	sbr.rel .LBB2_1-.Ltmp0, $4  }
0x19: {  	s26 =	simm.s32 $0x80;
	s11 =	sshrl.u32 s11, $0x3;
	[dreg:$0xb] =	wrdreg s9  }
0x1a: {  	s0 =	sadd.s32 $0xD000, s0;
	s5 =	sadd.s32 s5, s11;
	s11 =	sadd.s32 s25, s4  }
0x1b: {  	[dreg:$0xc] =	wrdreg s0;
	s25 =	simm.s32 $0x1000;
	s0 =	simm.s32 $0x4  }
0x1c: {  	[dreg:$0xa] =	wrdreg s5;
	s23 =	sshrl.u32 s11, $0x3;
	s5 =	simm.s32 $0x2  }
.LBB2_6:
0x1d: {  	[bflag:$0x0] =	sbarrier.arrive $0xFFFF  }
0x1e: {  	s12 =	simm.s32 $0x8;
	s14 =	simm.s32 $0x10;
	s9 =	rddreg [dreg:$0xb]  }
0x1f: {  	[hbm:s9@s14], [sflag:s13] =	dma.strided [spmem:s22@s12], $0x1400, s18, $0x8   }
0x20: {  	_ =	swait.ge [sflag:s21], $0x1400  }
0x21: {  	[sflag:s21] =	ssyncset.done $0x0  }
0x22: {  	s19 =	rddreg [dreg:$0xc];
	[sflag:s21] =	ssyncadd.s32 $0xFFFFEC00  }
0x23: {  	[hbm:s19@s0], [sflag:s13] =	dma.strided [spmem:s23@s5], $0x500, s18, $0x2   }
0x24: {  	_ =	swait.ge [sflag:s21], $0x500  }
0x25: {  	s8 =	sadd.s32 $0x1, s8;
	s20 =	rddreg [dreg:$0xd]  }
0x26: {  	p2 =	sne.s32 s8, s20  }
.Ltmp1:
0x27: {  	_ = 	snop;
	(pc) =	sbr.rel @!p2 .LBB2_7-.Ltmp1, $3  }
0x28: {  	_ =	sdelay $0x1  }
0x29: {  	[sflag:s21] =	ssyncset.done $0x0  }
0x2a: {  	[sflag:s21] =	ssyncadd.s32 $0xFFFFFB00  }
.LBB2_1:
0x2b: {  	s9 =	rddreg [dreg:$0xa]  }
0x2c: {  	[spmem:s17@s12], [sflag:s13] =	dma.strided [hbm:s9@s14], $0x1388, s18, $0x8   }
0x2d: {  	_ =	swait.ge [sflag:s21], $0x1388  }
0x2e: {  	[sflag:s21] =	ssyncset.done $0x0  }
0x2f: {  	s16 =	rddreg [dreg:$0x7];
	[sflag:s21] =	ssyncadd.s32 $0xFFFFEC78  }
0x30: {  	[spmem:s22], [sflag:s13] =	dma.local [hbm:s16], $0x1400  }
0x31: {  	_ =	swait.ge [sflag:s21], $0x1400  }
0x32: {  	[sflag:s21] =	ssyncset.done $0x0  }
0x33: {  	s19 =	rddreg [dreg:$0x8];
	[sflag:s21] =	ssyncadd.s32 $0xFFFFEC00  }
0x34: {  	[spmem:s23], [sflag:s13] =	dma.local [hbm:s19], $0x500  }
0x35: {  	_ =	swait.ge [sflag:s21], $0x500  }
0x36: {  	[sflag:s21] =	ssyncset.done $0x0  }
0x37: {  	s11 =	simm.s32 $0x6000;
	s20 =	rddreg [dreg:$0x9];
	[sflag:s21] =	ssyncadd.s32 $0xFFFFFB00  }
0x38: {  	[tilespmem:s11], [sflag:$0x6] =	stream.linear.gather [hbm4b:s20+s6], $0x800, $0x38;
	[tilespmem:$0x1CC40] =	vst v63  }
.Ltmp2:
0x39: {  	_ =	swait.ge [sflag:s21], $0x800;
	(pc) =	sbr.rel .LBB2_2-.Ltmp2, $4  }
0x3a: {  	[sflag:s21] =	ssyncset.done $0x0  }
0x3b: {  	[sflag:s21] =	ssyncadd.s32 $0xFFFFF800  }
0x3c: {  	[bflag:$0x0] =	sbarrier.arrive $0xFFFF  }
0x3d: {  	s9 =	simm.s32 $0x0  }
.LBB2_5:
0x3e: {  	_ =	swait.ge [sflag:s0], $0x2000  }
0x3f: {  	[sflag:s0] =	ssyncset.done $0x0  }
0x40: {  	[sflag:s0] =	ssyncadd.s32 $0xFFFFE000  }
0x41: {  	_ =	swait.ge [sflag:s24], $0x800  }
0x42: {  	[sflag:s24] =	ssyncset.done $0x0  }
0x43: {  	[sflag:s24] =	ssyncadd.s32 $0xFFFFF800  }
0x44: {  	_ =	swait.ge [sflag:s24], $0x800  }
0x45: {  	[sflag:s24] =	ssyncset.done $0x0  }
0x46: {  	[sflag:s24] =	ssyncadd.s32 $0xFFFFF800  }
0x47: {  	_ =	swait.ge [sflag:s24], $0x800  }
0x48: {  	[sflag:s24] =	ssyncset.done $0x0  }
0x49: {  	[sflag:s24] =	ssyncadd.s32 $0xFFFFF800  }
0x4a: {  	_ =	swait.ge [sflag:s24], $0x800  }
0x4b: {  	[sflag:s24] =	ssyncset.done $0x0  }
0x4c: {  	[sflag:s24] =	ssyncadd.s32 $0xFFFFF800  }
0x4d: {  	_ =	swait.ge [sflag:s24], $0x800  }
0x4e: {  	[sflag:s24] =	ssyncset.done $0x0  }
0x4f: {  	[sflag:s24] =	ssyncadd.s32 $0xFFFFF800  }
0x50: {  	_ =	swait.ge [sflag:s24], $0x800  }
0x51: {  	[sflag:s24] =	ssyncset.done $0x0  }
0x52: {  	[sflag:s24] =	ssyncadd.s32 $0xFFFFF800  }
0x53: {  	_ =	swait.ge [sflag:s24], $0x800  }
0x54: {  	[sflag:s24] =	ssyncset.done $0x0  }
0x55: {  	[sflag:s24] =	ssyncadd.s32 $0xFFFFF800  }
0x56: {  	_ =	swait.ge [sflag:s24], $0x800  }
0x57: {  	[sflag:s24] =	ssyncset.done $0x0  }
0x58: {  	[sflag:s24] =	ssyncadd.s32 $0xFFFFF800  }
0x59: {  	_ =	swait.ge [sflag:s24], $0x800  }
0x5a: {  	[sflag:s24] =	ssyncset.done $0x0  }
0x5b: {  	[sflag:s24] =	ssyncadd.s32 $0xFFFFF800  }
0x5c: {  	_ =	swait.ge [sflag:s24], $0x800  }
0x5d: {  	[sflag:s24] =	ssyncset.done $0x0  }
0x5e: {  	[sflag:s24] =	ssyncadd.s32 $0xFFFFF800  }
0x5f: {  	_ =	swait.ge [sflag:s24], $0x800  }
0x60: {  	[sflag:s24] =	ssyncset.done $0x0  }
0x61: {  	[sflag:s24] =	ssyncadd.s32 $0xFFFFF800  }
0x62: {  	_ =	swait.ge [sflag:s24], $0x800  }
0x63: {  	[sflag:s24] =	ssyncset.done $0x0  }
0x64: {  	[sflag:s24] =	ssyncadd.s32 $0xFFFFF800  }
0x65: {  	_ =	swait.ge [sflag:s24], $0x800  }
0x66: {  	[sflag:s24] =	ssyncset.done $0x0  }
0x67: {  	[sflag:s24] =	ssyncadd.s32 $0xFFFFF800  }
0x68: {  	_ =	swait.ge [sflag:s24], $0x800  }
0x69: {  	[sflag:s24] =	ssyncset.done $0x0  }
0x6a: {  	s9 =	sadd.s32 $0x1, s9;
	[sflag:s24] =	ssyncadd.s32 $0xFFFFF800  }
0x6b: {  	p2 =	sne.s32 s9, $0x5;
	_ =	swait.ge [sflag:s24], $0x800  }
.Ltmp3:
0x6c: {  	[sflag:s24] =	ssyncset.done $0x0;
	(pc) =	sbr.rel @!p2 .LBB2_6-.Ltmp3, $4  }
0x6d: {  	[sflag:s24] =	ssyncadd.s32 $0xFFFFF800  }
0x6e: {  	_ =	swait.ge [sflag:s24], $0x800  }
0x6f: {  	[sflag:s24] =	ssyncset.done $0x0  }
0x70: {  	[sflag:s24] =	ssyncadd.s32 $0xFFFFF800  }
.LBB2_2:
0x71: {  	s11 =	sshll.u32 s9, $0xC  }
0x72: {  	s11 =	sadd.s32 s10, s11  }
0x73: {  	s11 =	sshrl.u32 s11, $0x3  }
0x74: {  	s12 =	sadd.s32 s1, s11  }
0x75: {  	[tilespmem:s6], [sflag:$0x6] =	stream.linear.gather [hbm4b:s12+s6], $0x1000, $0x38;
	[tilespmem:$0x1CC40] =	vst v63  }
0x76: {  	_ =	swait.ge [sflag:s21], $0x1000  }
0x77: {  	[sflag:s21] =	ssyncset.done $0x0  }
0x78: {  	s11 =	sadd.s32 s7, s11;
	[sflag:s21] =	ssyncadd.s32 $0xFFFFF000  }
0x79: {  	[tilespmem:s25], [sflag:$0x6] =	stream.linear.gather [hbm4b:s11+s6], $0x1000, $0x38;
	[tilespmem:$0x1CC40] =	vst v63  }
0x7a: {  	_ =	swait.ge [sflag:s21], $0x1000  }
0x7b: {  	[sflag:s21] =	ssyncset.done $0x0  }
0x7c: {  	[sflag:s21] =	ssyncadd.s32 $0xFFFFF000  }
0x7d: {  	[tilespmem:s28], [sflag:$0x1] =	stream.indirect.gather [spmem:s2], $0x40, s6, s26, $0xb8;
	[tilespmem:$0x1CC40] =	vst v63  }
0x7e: {  	_ = 	snop  }
0x7f: {  	[tilespmem:s29], [sflag:$0x2] =	stream.indirect.gather [spmem:s2], $0x40, s26, s26, $0xb8;
	[tilespmem:$0x1CC40] =	vst v63  }
0x80: {  	_ =	swait.ge [sflag:s18], $0x2000  }
0x81: {  	[sflag:s18] =	ssyncset.done $0x0  }
0x82: {  	s11 =	simm.s32 @p0 $0x2;
	[sflag:s18] =	ssyncadd.s32 $0xFFFFE000  }
0x83: {  	[spmem:s3] =	stream.indirect.scatter.add.f32 [tilespmem:s28], [sflag:$0x3], $0x40, s25, s26, $0xb8;
	[tilespmem:$0x1CC40] =	vst v63  }
0x84: {  	_ =	swait.ge @p0 [sflag:s11], $0x2000  }
0x85: {  	s14 =	simm.s32 @p0 $0x4000;
	[sflag:s11] =	ssyncset.done @p0 $0x0  }
0x86: {  	s12 =	simm.s32 @p0 $0x1080;
	[sflag:s11] =	ssyncadd.s32 @p0 $0xFFFFE000;
	s11 =	simm.s32 @p0 $0x80  }
0x87: {  	[spmem:s3] =	stream.indirect.scatter.add.f32 @p0 [tilespmem:s14], [sflag:$0x4], $0x40, s12, s11, $0xb8;
	[tilespmem:$0x1CC40] =	vst v63  }
0x88: {  	s14 =	simm.s32 @p0 $0x6000  }
0x89: {  	[spmem:s4] =	stream.indirect.scatter.add.f32 @p0 [tilespmem:s14], [sflag:$0x5], $0x10, s12, s11, $0xb8;
	[tilespmem:$0x1CC40] =	vst v63  }
0x8a: {  	s11 =	simm.s32 @!p0 $0x80;
	s14 =	simm.s32 @!p0 $0x1000;
	s12 =	simm.s32 @!p0 $0x6000  }
0x8b: {  	[spmem:s4] =	stream.indirect.scatter.add.f32 @!p0 [tilespmem:s12], [sflag:$0x5], $0x10, s14, s11, $0xb8;
	[tilespmem:$0x1CC40] =	vst v63  }
0x8c: {  	s14 =	simm.s32 @!p0 $0x2  }
0x8d: {  	_ =	swait.ge @!p0 [sflag:s14], $0x2000  }
0x8e: {  	[sflag:s14] =	ssyncset.done @!p0 $0x0  }
0x8f: {  	s15 =	simm.s32 @!p0 $0x4000;
	[sflag:s14] =	ssyncadd.s32 @!p0 $0xFFFFE000;
	s14 =	simm.s32 @!p0 $0x1080  }
0x90: {  	[spmem:s3] =	stream.indirect.scatter.add.f32 @!p0 [tilespmem:s15], [sflag:$0x4], $0x40, s14, s11, $0xb8;
	[tilespmem:$0x1CC40] =	vst v63  }
0x91: {  	_ =	swait.ge [sflag:s30], $0x2000  }
0x92: {  	[sflag:s30] =	ssyncset.done $0x0  }
0x93: {  	s14 =	simm.s32 $0xFFFFC800;
	[sflag:s30] =	ssyncadd.s32 $0xFFFFE000  }
0x94: {  	[tilespmem:s28], [sflag:$0x1] =	stream.indirect.gather [spmem:s2], $0x40, s31, s26, $0xb8;
	[tilespmem:$0x1CC40] =	vst v63  }
.LBB2_3:
0x95: {  	_ =	swait.ge [sflag:s18], $0x2000  }
0x96: {  	s15 =	sshra.s32 s14, $0x2;
	[sflag:s18] =	ssyncset.done $0x0  }
0x97: {  	s19 =	sadd.s32 $0x1F00, s15;
	[sflag:s18] =	ssyncadd.s32 $0xFFFFE000  }
0x98: {  	[spmem:s3] =	stream.indirect.scatter.add.f32 [tilespmem:s28], [sflag:$0x3], $0x40, s19, s26, $0xb8;
	[tilespmem:$0x1CC40] =	vst v63  }
0x99: {  	_ = 	snop  }
0x9a: {  	[spmem:s4] =	stream.indirect.scatter.add.f32 @!p0 [tilespmem:s12], [sflag:$0x5], $0x10, s19, s11, $0xb8;
	[tilespmem:$0x1CC40] =	vst v63  }
0x9b: {  	_ =	swait.ge [sflag:s0], $0x2000  }
0x9c: {  	[sflag:s0] =	ssyncset.done $0x0  }
0x9d: {  	s20 =	sadd.s32 $0xF80, s15;
	[sflag:s0] =	ssyncadd.s32 $0xFFFFE000  }
0x9e: {  	[tilespmem:s29], [sflag:$0x2] =	stream.indirect.gather [spmem:s2], $0x40, s20, s26, $0xb8;
	[tilespmem:$0x1CC40] =	vst v63  }
0x9f: {  	_ =	swait.ge [sflag:s5], $0x2000  }
0xa0: {  	[sflag:s5] =	ssyncset.done $0x0  }
0xa1: {  	p2 =	seq.s32 s14, $0x0;
	s19 =	sadd.s32 $0x1F80, s15;
	[sflag:s5] =	ssyncadd.s32 $0xFFFFE000  }
0xa2: {  	[spmem:s3] =	stream.indirect.scatter.add.f32 [tilespmem:s29], [sflag:$0x4], $0x40, s19, s26, $0xb8;
	[tilespmem:$0x1CC40] =	vst v63  }
.Ltmp4:
0xa3: {  	s16 =	simm.s32 @!p1 $0x80;
	s20 =	simm.s32 @!p1 $0x6000;
	(pc) =	sbr.rel @p2 .LBB2_5-.Ltmp4, $4  }
0xa4: {  	[spmem:s4] =	stream.indirect.scatter.add.f32 @!p1 [tilespmem:s20], [sflag:$0x5], $0x10, s19, s16, $0xb8;
	[tilespmem:$0x1CC40] =	vst v63  }
0xa5: {  	_ =	swait.ge [sflag:s30], $0x2000  }
0xa6: {  	[sflag:s30] =	ssyncset.done $0x0  }
0xa7: {  	[sflag:s30] =	ssyncadd.s32 $0xFFFFE000  }
.Ltmp5:
0xa8: {  	(pc) =	sbr.rel .LBB2_3-.Ltmp5, $3  }
0xa9: {  	_ =	sdelay $0x1  }
0xaa: {  	s15 =	sadd.s32 $0x1000, s15;
	s14 =	sadd.s32 $0x400, s14  }
0xab: {  	[tilespmem:s28], [sflag:$0x1] =	stream.indirect.gather [spmem:s2], $0x40, s15, s26, $0xb8;
	[tilespmem:$0x1CC40] =	vst v63  }
.LBB2_7:
0xac: {  	_ =	sfence.sel $0x180000  }
0xad: {  	[bflag:$0x0] =	sbarrier.arrive $0xFFFF  }
0xae: {  	_ =	strace $0x90000047  }
0xaf: {  	s0 =	stileid.u32;
	[bflag:$0x2] =	sbarrier.arrive $0xFFFF  }
0xb0: {  	p0 =	sne.s32 s0, $0x0;
	s0 =	rddreg [dreg:$0x6]  }
0xb1: {  	s0 =	sadd.s32 @!p0 $0x100000, s0  }
0xb2: {  	[sflag:s0] =	ssyncadd.tile.s32 @!p0 $0x1;
	_ =	shalt  }
.Lfunc_end2:
_tile_overlayer_lowered:
.L_overlay_start_2:
0xb3: {  	(tag) =	ssettag $0x2  }
0xb4: {  	s0 =	rddreg [dreg:$0x0];
	s2 =	stileid.u32  }
0xb5: {  	s1 =	rddreg [dreg:$0x1];
	p0 =	sne.s32 s2, $0x0  }
0xb6: {  	s3 =	rddreg [dreg:$0x2];
	[bflag:$0x3] =	sbarrier.arrive $0xFFFF;
	s2 =	simm.s32 @!p0 $0x1C06  }
0xb7: {  	[timem:s3], [sflag:s2] =	dma.local @!p0 [hbm:s0], s1  }
0xb8: {  	s0 =	simm.s32 @!p0 $0x6  }
0xb9: {  	_ =	swait.ge @!p0 [sflag:s0], s1  }
0xba: {  	s1 =	ssub.s32 @!p0 $0x0, s1;
	[sflag:s0] =	ssyncset.done @!p0 $0x0  }
0xbb: {  	[sflag:s0] =	ssyncadd.s32 @!p0 s1  }
0xbc: {  	[bflag:$0x3] =	sbarrier.arrive $0xFFFF  }
0xbd: {  	_ =	shalt  }

</sc_bundles>
